<compile_context>
chip_gen: v7x
topology: tpu7x:2x2x1
jax: 0.10.2.dev20260603
libtpu: 0.0.44.dev20260713+nightly
codegen_flags: <defaults>
</compile_context>

<pallas_src>
import functools

import jax
import jax.numpy as jnp
from jax import lax
from jax.experimental import pallas as pl
from jax.experimental.pallas import tpu as pltpu
from jax.experimental.pallas import tpu_sc as plsc

B, T, MOD, DEPTH, WORD, MEM = 8, 10, 3, 3, 256, 256
NV = T * MOD * DEPTH
NROW = 93


def _tc_body(x_ref, we_ref, be_ref, wa_ref, ba_ref, demo_ref, w1_ref, b1_ref,
             w2_ref, b2_ref, wf_ref, bf_ref, mask_ref, lab90_ref, root_ref,
             init_ref, p_hbm, q_hbm, fir_hbm, img_hbm,
             p_s, q_s, fir_s, img_s, sem):
    f32 = jnp.float32
    dn = (((1,), (1,)), ((), ()))

    x = x_ref[...]
    E = jax.nn.sigmoid(
        lax.dot_general(x, we_ref[...], dn, preferred_element_type=f32)
        + be_ref[...])
    A = jnp.tanh(
        lax.dot_general(x, wa_ref[...], dn, preferred_element_type=f32)
        + ba_ref[...])

    Eg = E.reshape(B * T * MOD, DEPTH, WORD)
    Ag = A.reshape(B * T * MOD, DEPTH, WORD)
    u1h = 1.0 - 0.5 * Eg[:, 1, :]
    u2h = 1.0 - 0.5 * Eg[:, 2, :]
    u2q = 1.0 - 0.25 * Eg[:, 2, :]
    a0, a1, a2 = Ag[:, 0, :], Ag[:, 1, :], Ag[:, 2, :]
    P2 = 1.0 - Eg[:, 2, :]
    Q2 = a2
    P1 = (1.0 - Eg[:, 1, :]) * u2h
    Q1 = a1 * u2h + 0.5 * a2
    P0 = (1.0 - Eg[:, 0, :]) * u1h * u2q
    Q0 = a0 * u1h * u2q + 0.5 * a1 * u2q + 0.25 * a2
    G = T * MOD
    p_s[...] = jnp.stack(
        [P0.reshape(B, G, WORD), P1.reshape(B, G, WORD),
         P2.reshape(B, G, WORD)], axis=1).reshape(B, NV, WORD)
    q_s[...] = jnp.stack(
        [Q0.reshape(B, G, WORD), Q1.reshape(B, G, WORD),
         Q2.reshape(B, G, WORD)], axis=1).reshape(B, NV, WORD)
    d1 = pltpu.make_async_copy(p_s, p_hbm, sem)
    d2 = pltpu.make_async_copy(q_s, q_hbm, sem)
    d1.start()
    d2.start()

    demo = demo_ref[...]
    h = jax.nn.relu(
        lax.dot_general(demo, w1_ref[...], dn, preferred_element_type=f32)
        + b1_ref[...])
    h = (lax.dot_general(h, w2_ref[...], dn, preferred_element_type=f32)
         + b2_ref[...] + demo)
    de = (lax.dot_general(h, wf_ref[...], dn, preferred_element_type=f32)
          + bf_ref[...])

    mi = lax.broadcasted_iota(jnp.int32, (NV, NV), 0)
    ni = lax.broadcasted_iota(jnp.int32, (NV, NV), 1)
    ii, li = mi % 3, ni % 3
    pw = jnp.where(ii == 0, 1.0, jnp.where(ii == 1, 51.0, 51.0 * 51.0))
    sel = jnp.where((mi // 3 == ni // 3) & (ii <= li), pw, 0.0)
    li2 = lax.broadcasted_iota(jnp.int32, (B, NV), 1) % 3
    bias = jnp.where(li2 == 0, 1.0,
                     jnp.where(li2 == 1, 52.0, 52.0 + 51.0 * 51.0))
    dn2 = (((1,), (0,)), ((), ()))
    codes = (lax.dot_general(lab90_ref[...], sel, dn2,
                             preferred_element_type=f32) + bias)
    rep = jnp.where(lax.broadcasted_iota(jnp.int32, (T, NV), 1) // 9
                    == lax.broadcasted_iota(jnp.int32, (T, NV), 0), 1.0, 0.0)
    mskf = jnp.where(mask_ref[...] != 0, 1.0, 0.0)
    act = lax.dot_general(mskf, rep, dn2, preferred_element_type=f32) > 0.5

    m3 = lax.broadcasted_iota(jnp.int32, (B, NV, NV), 2)
    eq = (codes[:, :, None] == codes[:, None, :]) & act[:, None, :]
    first = jnp.min(jnp.where(eq, m3, NV), axis=2)
    n2 = lax.broadcasted_iota(jnp.int32, (B, NV), 1)
    is_first = act & (first == n2)
    count = jnp.sum(jnp.where(is_first, 1, 0), axis=1)
    idx = jnp.sum(
        jnp.where(is_first[:, None, :] & (m3 <= first[:, :, None]), 1, 0),
        axis=2) - 1
    row = jnp.where(act, idx + 2, NROW - 1)
    fir_s[...] = jnp.broadcast_to(row[:, :, None], (B, NV, 16))
    d3 = pltpu.make_async_copy(fir_s, fir_hbm, sem)
    d3.start()

    g = jnp.where(n2 < count[:, None], 1.0, 0.0).astype(f32)
    root2 = jnp.broadcast_to(root_ref[...][None, None, :], (B, 1, MEM))
    slots0 = g[:, :, None] * init_ref[...][None, None, :]
    img_s[...] = jnp.concatenate([root2, de[:, None, :], slots0], axis=1)
    d4 = pltpu.make_async_copy(img_s, img_hbm, sem)
    d4.start()
    d1.wait()
    d2.wait()
    d3.wait()
    d4.wait()


def _sc_body(p_hbm, q_hbm, fir_hbm, init_hbm, out_hbm, p_v, q_v, fir_v, stage,
             sem):
    info = plsc.get_sparse_core_info()
    nc = info.num_cores
    wid = lax.axis_index("s") * nc + lax.axis_index("c")
    b = wid // 2
    off = (wid % 2) * 128

    @pl.when(wid < 16)
    def _():
        d1 = pltpu.async_copy(p_hbm.at[b, :, pl.ds(off, 128)], p_v, sem)
        d2 = pltpu.async_copy(q_hbm.at[b, :, pl.ds(off, 128)], q_v, sem)
        d3 = pltpu.async_copy(fir_hbm.at[b], fir_v, sem)
        d4 = pltpu.async_copy(init_hbm.at[b, :, pl.ds(off, 128)],
                              stage.at[pl.ds(0, 92)], sem)
        d1.wait(); d2.wait(); d3.wait(); d4.wait()

        iota = lax.iota(jnp.int32, 16)
        zeros = jnp.zeros((16,), jnp.float32)
        for c in range(8):
            stage[NROW - 1, pl.ds(c * 16, 16)] = zeros

        def step(n, carry):
            rowv = fir_v[n, :]
            pn = (n % 3) * (T * MOD) + n // 3

            @plsc.parallel_loop(0, 128, step=16, unroll=8)
            def _inner(c16):
                col = iota + c16
                sl = pl.ds(c16, 16)
                cur = plsc.load_gather(stage, [rowv, col])
                plsc.store_scatter(stage, [rowv, col],
                                   cur * p_v[pn, sl] + q_v[pn, sl])

            return carry

        lax.fori_loop(0, NV, step, 0, unroll=2)
        pltpu.sync_copy(stage.at[pl.ds(0, 92)], out_hbm.at[b, :, pl.ds(off, 128)])


@functools.lru_cache(maxsize=1)
def _make_sc_compose():
    mesh = plsc.VectorSubcoreMesh(core_axis_name="c", subcore_axis_name="s")
    return pl.kernel(
        _sc_body,
        out_type=jax.ShapeDtypeStruct((B, 92, MEM), jnp.float32),
        mesh=mesh,
        compiler_params=pltpu.CompilerParams(needs_layout_passes=False,
                                             skip_device_barrier=True),
        scratch_types=[
            pltpu.VMEM((NV, 128), jnp.float32),
            pltpu.VMEM((NV, 128), jnp.float32),
            pltpu.VMEM((NV, 16), jnp.int32),
            pltpu.VMEM((NROW, 128), jnp.float32),
            pltpu.SemaphoreType.DMA,
        ],
    )


def kernel(input, mask, labels, demo, W1, b1, W2, b2, Wf, bf, We, be, Wa, ba,
           init_mem, root_mem):
    P, Q, fir, img = pl.pallas_call(
        _tc_body,
        out_shape=[
            jax.ShapeDtypeStruct((B, NV, WORD), jnp.float32),
            jax.ShapeDtypeStruct((B, NV, WORD), jnp.float32),
            jax.ShapeDtypeStruct((B, NV, 16), jnp.int32),
            jax.ShapeDtypeStruct((B, 92, MEM), jnp.float32),
        ],
        out_specs=[pl.BlockSpec(memory_space=pltpu.HBM)] * 4,
        scratch_shapes=[
            pltpu.VMEM((B, NV, WORD), jnp.float32),
            pltpu.VMEM((B, NV, WORD), jnp.float32),
            pltpu.VMEM((B, NV, 16), jnp.int32),
            pltpu.VMEM((B, 92, MEM), jnp.float32),
            pltpu.SemaphoreType.DMA,
        ],
    )(input.reshape(B * NV, WORD), We, be, Wa, ba, demo, W1, b1, W2, b2,
      Wf, bf, mask, labels.reshape(B, NV).astype(jnp.float32),
      root_mem, init_mem)

    return _make_sc_compose()(P, Q, fir, img)

# --- scband reference (transcript-rebuilt; emitter-appended) ---
"""Pipeline reference for scband-ehrmemory-network-13769665151412 (READ-ONLY COPY).

The authoritative reference and input builder live on the scoring server;
editing this copy changes nothing except your own understanding.
"""

import jax, jax.numpy as jnp
import numpy as np

B, T, MOD, DEPTH, WORD, MEM, HID, DEMO = 8, 10, 3, 3, 256, 256, 512, 64
S = 2 + T * MOD * DEPTH


def setup_inputs(seed: int = 0):
    key = jax.random.key(seed)
    ks = jax.random.split(key, 18)
    s = 0.05
    inp = {}
    inp["input"] = jax.random.normal(ks[0], (B, T, MOD * DEPTH, WORD), dtype=jnp.float32)
    inp["mask"] = jax.random.randint(ks[1], (B, T), 0, 2, dtype=jnp.int32)
    inp["labels"] = jax.random.randint(ks[2], (B, T, MOD, DEPTH), 0, 50, dtype=jnp.int32)
    inp["demo"] = jax.random.normal(ks[3], (B, DEMO), dtype=jnp.float32)
    inp["W1"] = jax.random.normal(ks[4], (HID, DEMO), dtype=jnp.float32) * s
    inp["b1"] = jnp.zeros((HID,), jnp.float32)
    inp["W2"] = jax.random.normal(ks[5], (DEMO, HID), dtype=jnp.float32) * s
    inp["b2"] = jnp.zeros((DEMO,), jnp.float32)
    inp["Wf"] = jax.random.normal(ks[6], (MEM, DEMO), dtype=jnp.float32) * s
    inp["bf"] = jnp.zeros((MEM,), jnp.float32)
    inp["We"] = jax.random.normal(ks[7], (MEM, WORD), dtype=jnp.float32) * s
    inp["be"] = jnp.zeros((MEM,), jnp.float32)
    inp["Wa"] = jax.random.normal(ks[8], (MEM, WORD), dtype=jnp.float32) * s
    inp["ba"] = jnp.zeros((MEM,), jnp.float32)
    inp["init_mem"] = jax.random.normal(ks[9], (MEM,), dtype=jnp.float32)
    inp["root_mem"] = jax.random.normal(ks[10], (MEM,), dtype=jnp.float32)
    return inp


def _forward(input, demo, W1, b1, W2, b2, Wf, bf, We, be, Wa, ba, init_mem, root_mem, mask, labels):
    # demo_embd: ResidualBlock
    h = jax.nn.relu(demo @ W1.T + b1)
    h = h @ W2.T + b2 + demo
    demo_embds = h @ Wf.T + bf
    # precompute erase/add activations for every (i, j, position)
    E = jax.nn.sigmoid(input @ We.T + be)
    A = jnp.tanh(input @ Wa.T + ba)

    n_visits = T * MOD * DEPTH
    n_slots = S - 2

    def per_batch(mask_i, labels_i, E_i, A_i, d_i):
        keys0 = jnp.full((n_slots, DEPTH), -1, dtype=jnp.int32)
        vals0 = jnp.zeros((n_slots, MEM), dtype=jnp.float32)
        count0 = jnp.int32(0)

        def visit(carry, n):
            keys, vals, count = carry
            j = n // (MOD * DEPTH)
            r = n % (MOD * DEPTH)
            k = r // DEPTH
            l = r % DEPTH
            active = mask_i[j] != 0
            lab = labels_i[j, k]
            key = jnp.where(jnp.arange(DEPTH) <= l, lab, -1)
            match = jnp.all(keys == key, axis=1)
            found = jnp.any(match)
            idx = jnp.where(found, jnp.argmax(match), count)
            m_cur = jnp.where(found, vals[idx], init_mem)

            def body(m, mc):
                scale = jnp.exp2(-(m - l).astype(jnp.float32))
                upd = mc * (1.0 - scale * E_i[j, k * DEPTH + m]) + scale * A_i[j, k * DEPTH + m]
                return jnp.where(m >= l, upd, mc)

            m_cur = jax.lax.fori_loop(0, DEPTH, body, m_cur)
            keys = keys.at[idx].set(jnp.where(active, key, keys[idx]))
            vals = vals.at[idx].set(jnp.where(active, m_cur, vals[idx]))
            count = count + jnp.where(active & ~found, jnp.int32(1), jnp.int32(0))
            return (keys, vals, count), None

        (keys, vals, count), _ = jax.lax.scan(visit, (keys0, vals0, count0), jnp.arange(n_visits))
        return jnp.concatenate([root_mem[None, :], d_i[None, :], vals], axis=0)

    return jax.vmap(per_batch)(mask, labels, E, A, demo_embds)


def reference(input, mask, labels, demo, W1, b1, W2, b2, Wf, bf, We, be, Wa, ba, init_mem, root_mem):
    return _forward(input, demo, W1, b1, W2, b2, Wf, bf, We, be, Wa, ba, init_mem, root_mem, mask, labels)

if __name__ == "__main__":
    import jax
    _d = setup_inputs()
    print(jax.jit(kernel)(*tuple(_d.values())))

</pallas_src>

<mosaic_0001>
#map = affine_map<(d0, d1) -> (0, 0, 0)>
module attributes {stable_mosaic.version = 14 : i64} {
  func.func @_sc_body(%arg0: i32, %arg1: i32, %arg2: memref<8x90x256xf32, #tpu.memory_space<hbm>>, %arg3: memref<8x90x256xf32, #tpu.memory_space<hbm>>, %arg4: memref<8x90x16xi32, #tpu.memory_space<hbm>>, %arg5: memref<8x92x256xf32, #tpu.memory_space<hbm>>, %arg6: memref<8x92x256xf32, #tpu.memory_space<hbm>>, %arg7: memref<90x128xf32, #tpu.memory_space<vmem>>, %arg8: memref<90x128xf32, #tpu.memory_space<vmem>>, %arg9: memref<90x16xi32, #tpu.memory_space<vmem>>, %arg10: memref<93x128xf32, #tpu.memory_space<vmem>>, %arg11: memref<!tpu.dma_semaphore, #tpu.memory_space<semaphore_mem>>) attributes {dimension_semantics = [#tpu.dimension_semantics<core_parallel>, #tpu.dimension_semantics<subcore_parallel>], iteration_bounds = array<i64: 2, 16>, scalar_prefetch = 0 : i64, scratch_operands = 5 : i64, tpu.core_type = #tpu.core_type<sc_vector_subcore>, window_params = [{transform_indices = #map}, {transform_indices = #map}, {transform_indices = #map}, {transform_indices = #map}, {transform_indices = #map}]} {
    %mul3A = arith.constant 2 : i32
    %mul3A_0 = arith.muli %arg1, %mul3A : i32
    %add3A = arith.addi %mul3A_0, %arg0 : i32
    %jit3A = arith.constant 2 : i32
    %div3A = arith.divsi %add3A, %jit3A : i32
    %sign3A = arith.constant 0 : i32
    %sign3A_1 = arith.cmpi sgt, %add3A, %sign3A : i32
    %sign3A_2 = arith.extui %sign3A_1 : i1 to i32
    %sign3A_3 = arith.constant 0 : i32
    %sign3A_4 = arith.cmpi slt, %add3A, %sign3A_3 : i32
    %sign3A_5 = arith.extui %sign3A_4 : i1 to i32
    %sign3A_6 = arith.subi %sign3A_2, %sign3A_5 : i32
    %sign3A_7 = arith.constant 0 : i32
    %sign3A_8 = arith.cmpi sgt, %jit3A, %sign3A_7 : i32
    %sign3A_9 = arith.extui %sign3A_8 : i1 to i32
    %sign3A_10 = arith.constant 0 : i32
    %sign3A_11 = arith.cmpi slt, %jit3A, %sign3A_10 : i32
    %sign3A_12 = arith.extui %sign3A_11 : i1 to i32
    %sign3A_13 = arith.subi %sign3A_9, %sign3A_12 : i32
    %ne3A = arith.cmpi ne, %sign3A_6, %sign3A_13 : i32
    %rem3A = arith.remsi %add3A, %jit3A : i32
    %ne3A_14 = arith.constant 0 : i32
    %ne3A_15 = arith.cmpi ne, %rem3A, %ne3A_14 : i32
    %and3A = arith.andi %ne3A, %ne3A_15 : i1
    %sub3A = arith.constant 1 : i32
    %sub3A_16 = arith.subi %div3A, %sub3A : i32
    %select_n3A = arith.select %and3A, %sub3A_16, %div3A : i32
    %jit3A_17 = arith.constant 2 : i32
    %eq3A = arith.constant 0 : i32
    %eq3A_18 = arith.cmpi eq, %jit3A_17, %eq3A : i32
    %jit3A_19 = arith.constant 1 : i32
    %select_n3A_20 = arith.select %eq3A_18, %jit3A_19, %jit3A_17 : i32
    %rem3A_21 = arith.remsi %add3A, %select_n3A_20 : i32
    %ne3A_22 = arith.constant 0 : i32
    %ne3A_23 = arith.cmpi ne, %rem3A_21, %ne3A_22 : i32
    %lt3A = arith.constant 0 : i32
    %lt3A_24 = arith.cmpi slt, %rem3A_21, %lt3A : i32
    %lt3A_25 = arith.constant 0 : i32
    %lt3A_26 = arith.cmpi slt, %select_n3A_20, %lt3A_25 : i32
    %ne3A_27 = arith.xori %lt3A_24, %lt3A_26 : i1
    %and3A_28 = arith.andi %ne3A_27, %ne3A_23 : i1
    %add3A_29 = arith.addi %rem3A_21, %select_n3A_20 : i32
    %select_n3A_30 = arith.select %and3A_28, %add3A_29, %rem3A_21 : i32
    %mul3A_31 = arith.constant 128 : i32
    %mul3A_32 = arith.muli %select_n3A_30, %mul3A_31 : i32
    %lt3A_33 = arith.constant 16 : i32
    %lt3A_34 = arith.cmpi slt, %add3A, %lt3A_33 : i32
    %convert_element_type3A = arith.extui %lt3A_34 : i1 to i32
    %cond3A = arith.constant 0 : i32
    %cond3A_35 = arith.cmpi ne, %convert_element_type3A, %cond3A : i32
    scf.if %cond3A_35 {
      %dma_start3A = arith.constant 0 : i32
      %dma_start3A_36 = tpu.memref_slice %arg2[%select_n3A, %dma_start3A, %mul3A_32] : memref<8x90x256xf32, #tpu.memory_space<hbm>> -> memref<1x90x128xf32, #tpu.memory_space<hbm>>
      %dma_start3A_37 = tpu.memref_squeeze %dma_start3A_36 : memref<1x90x128xf32, #tpu.memory_space<hbm>> -> memref<90x128xf32, #tpu.memory_space<hbm>>
      %dma_start3A_38 = arith.constant 0 : i32
      %dma_start3A_39 = tpu.memref_slice %arg2[%select_n3A, %dma_start3A_38, %mul3A_32] : memref<8x90x256xf32, #tpu.memory_space<hbm>> -> memref<1x90x128xf32, #tpu.memory_space<hbm>>
      %dma_start3A_40 = tpu.memref_squeeze %dma_start3A_39 : memref<1x90x128xf32, #tpu.memory_space<hbm>> -> memref<90x128xf32, #tpu.memory_space<hbm>>
      tpu.enqueue_dma source(%dma_start3A_40 : memref<90x128xf32, #tpu.memory_space<hbm>>) target(%arg7 : memref<90x128xf32, #tpu.memory_space<vmem>>) target_semaphore(%arg11 : memref<!tpu.dma_semaphore, #tpu.memory_space<semaphore_mem>>)
      %dma_start3A_41 = arith.constant 0 : i32
      %dma_start3A_42 = tpu.memref_slice %arg3[%select_n3A, %dma_start3A_41, %mul3A_32] : memref<8x90x256xf32, #tpu.memory_space<hbm>> -> memref<1x90x128xf32, #tpu.memory_space<hbm>>
      %dma_start3A_43 = tpu.memref_squeeze %dma_start3A_42 : memref<1x90x128xf32, #tpu.memory_space<hbm>> -> memref<90x128xf32, #tpu.memory_space<hbm>>
      %dma_start3A_44 = arith.constant 0 : i32
      %dma_start3A_45 = tpu.memref_slice %arg3[%select_n3A, %dma_start3A_44, %mul3A_32] : memref<8x90x256xf32, #tpu.memory_space<hbm>> -> memref<1x90x128xf32, #tpu.memory_space<hbm>>
      %dma_start3A_46 = tpu.memref_squeeze %dma_start3A_45 : memref<1x90x128xf32, #tpu.memory_space<hbm>> -> memref<90x128xf32, #tpu.memory_space<hbm>>
      tpu.enqueue_dma source(%dma_start3A_46 : memref<90x128xf32, #tpu.memory_space<hbm>>) target(%arg8 : memref<90x128xf32, #tpu.memory_space<vmem>>) target_semaphore(%arg11 : memref<!tpu.dma_semaphore, #tpu.memory_space<semaphore_mem>>)
      %dma_start3A_47 = arith.constant 0 : i32
      %dma_start3A_48 = arith.constant 0 : i32
      %dma_start3A_49 = tpu.memref_slice %arg4[%select_n3A, %dma_start3A_47, %dma_start3A_48] : memref<8x90x16xi32, #tpu.memory_space<hbm>> -> memref<1x90x16xi32, #tpu.memory_space<hbm>>
      %dma_start3A_50 = tpu.memref_squeeze %dma_start3A_49 : memref<1x90x16xi32, #tpu.memory_space<hbm>> -> memref<90x16xi32, #tpu.memory_space<hbm>>
      %dma_start3A_51 = arith.constant 0 : i32
      %dma_start3A_52 = arith.constant 0 : i32
      %dma_start3A_53 = tpu.memref_slice %arg4[%select_n3A, %dma_start3A_51, %dma_start3A_52] : memref<8x90x16xi32, #tpu.memory_space<hbm>> -> memref<1x90x16xi32, #tpu.memory_space<hbm>>
      %dma_start3A_54 = tpu.memref_squeeze %dma_start3A_53 : memref<1x90x16xi32, #tpu.memory_space<hbm>> -> memref<90x16xi32, #tpu.memory_space<hbm>>
      tpu.enqueue_dma source(%dma_start3A_54 : memref<90x16xi32, #tpu.memory_space<hbm>>) target(%arg9 : memref<90x16xi32, #tpu.memory_space<vmem>>) target_semaphore(%arg11 : memref<!tpu.dma_semaphore, #tpu.memory_space<semaphore_mem>>)
      %dma_start3A_55 = arith.constant 0 : i32
      %dma_start3A_56 = arith.constant 0 : i32
      %dma_start3A_57 = tpu.memref_slice %arg10[%dma_start3A_55, %dma_start3A_56] : memref<93x128xf32, #tpu.memory_space<vmem>> -> memref<92x128xf32, #tpu.memory_space<vmem>>
      %dma_start3A_58 = arith.constant 0 : i32
      %dma_start3A_59 = tpu.memref_slice %arg5[%select_n3A, %dma_start3A_58, %mul3A_32] : memref<8x92x256xf32, #tpu.memory_space<hbm>> -> memref<1x92x128xf32, #tpu.memory_space<hbm>>
      %dma_start3A_60 = tpu.memref_squeeze %dma_start3A_59 : memref<1x92x128xf32, #tpu.memory_space<hbm>> -> memref<92x128xf32, #tpu.memory_space<hbm>>
      %dma_start3A_61 = arith.constant 0 : i32
      %dma_start3A_62 = arith.constant 0 : i32
      %dma_start3A_63 = tpu.memref_slice %arg10[%dma_start3A_61, %dma_start3A_62] : memref<93x128xf32, #tpu.memory_space<vmem>> -> memref<92x128xf32, #tpu.memory_space<vmem>>
      %dma_start3A_64 = arith.constant 0 : i32
      %dma_start3A_65 = tpu.memref_slice %arg5[%select_n3A, %dma_start3A_64, %mul3A_32] : memref<8x92x256xf32, #tpu.memory_space<hbm>> -> memref<1x92x128xf32, #tpu.memory_space<hbm>>
      %dma_start3A_66 = tpu.memref_squeeze %dma_start3A_65 : memref<1x92x128xf32, #tpu.memory_space<hbm>> -> memref<92x128xf32, #tpu.memory_space<hbm>>
      tpu.enqueue_dma source(%dma_start3A_66 : memref<92x128xf32, #tpu.memory_space<hbm>>) target(%dma_start3A_63 : memref<92x128xf32, #tpu.memory_space<vmem>>) target_semaphore(%arg11 : memref<!tpu.dma_semaphore, #tpu.memory_space<semaphore_mem>>)
      %dma_wait3A = arith.constant 0 : i32
      %dma_wait3A_67 = tpu.memref_slice %arg2[%select_n3A, %dma_wait3A, %mul3A_32] : memref<8x90x256xf32, #tpu.memory_space<hbm>> -> memref<1x90x128xf32, #tpu.memory_space<hbm>>
      %dma_wait3A_68 = tpu.memref_squeeze %dma_wait3A_67 : memref<1x90x128xf32, #tpu.memory_space<hbm>> -> memref<90x128xf32, #tpu.memory_space<hbm>>
      %dma_wait3A_69 = arith.constant 0 : i32
      %dma_wait3A_70 = tpu.memref_slice %arg2[%select_n3A, %dma_wait3A_69, %mul3A_32] : memref<8x90x256xf32, #tpu.memory_space<hbm>> -> memref<1x90x128xf32, #tpu.memory_space<hbm>>
      %dma_wait3A_71 = tpu.memref_squeeze %dma_wait3A_70 : memref<1x90x128xf32, #tpu.memory_space<hbm>> -> memref<90x128xf32, #tpu.memory_space<hbm>>
      tpu.wait_dma2 semaphore(%arg11 : memref<!tpu.dma_semaphore, #tpu.memory_space<semaphore_mem>>) src(%dma_wait3A_71 : memref<90x128xf32, #tpu.memory_space<hbm>>) dst(%arg7 : memref<90x128xf32, #tpu.memory_space<vmem>>)
      %dma_wait3A_72 = arith.constant 0 : i32
      %dma_wait3A_73 = tpu.memref_slice %arg3[%select_n3A, %dma_wait3A_72, %mul3A_32] : memref<8x90x256xf32, #tpu.memory_space<hbm>> -> memref<1x90x128xf32, #tpu.memory_space<hbm>>
      %dma_wait3A_74 = tpu.memref_squeeze %dma_wait3A_73 : memref<1x90x128xf32, #tpu.memory_space<hbm>> -> memref<90x128xf32, #tpu.memory_space<hbm>>
      %dma_wait3A_75 = arith.constant 0 : i32
      %dma_wait3A_76 = tpu.memref_slice %arg3[%select_n3A, %dma_wait3A_75, %mul3A_32] : memref<8x90x256xf32, #tpu.memory_space<hbm>> -> memref<1x90x128xf32, #tpu.memory_space<hbm>>
      %dma_wait3A_77 = tpu.memref_squeeze %dma_wait3A_76 : memref<1x90x128xf32, #tpu.memory_space<hbm>> -> memref<90x128xf32, #tpu.memory_space<hbm>>
      tpu.wait_dma2 semaphore(%arg11 : memref<!tpu.dma_semaphore, #tpu.memory_space<semaphore_mem>>) src(%dma_wait3A_77 : memref<90x128xf32, #tpu.memory_space<hbm>>) dst(%arg8 : memref<90x128xf32, #tpu.memory_space<vmem>>)
      %dma_wait3A_78 = arith.constant 0 : i32
      %dma_wait3A_79 = arith.constant 0 : i32
      %dma_wait3A_80 = tpu.memref_slice %arg4[%select_n3A, %dma_wait3A_78, %dma_wait3A_79] : memref<8x90x16xi32, #tpu.memory_space<hbm>> -> memref<1x90x16xi32, #tpu.memory_space<hbm>>
      %dma_wait3A_81 = tpu.memref_squeeze %dma_wait3A_80 : memref<1x90x16xi32, #tpu.memory_space<hbm>> -> memref<90x16xi32, #tpu.memory_space<hbm>>
      %dma_wait3A_82 = arith.constant 0 : i32
      %dma_wait3A_83 = arith.constant 0 : i32
      %dma_wait3A_84 = tpu.memref_slice %arg4[%select_n3A, %dma_wait3A_82, %dma_wait3A_83] : memref<8x90x16xi32, #tpu.memory_space<hbm>> -> memref<1x90x16xi32, #tpu.memory_space<hbm>>
      %dma_wait3A_85 = tpu.memref_squeeze %dma_wait3A_84 : memref<1x90x16xi32, #tpu.memory_space<hbm>> -> memref<90x16xi32, #tpu.memory_space<hbm>>
      tpu.wait_dma2 semaphore(%arg11 : memref<!tpu.dma_semaphore, #tpu.memory_space<semaphore_mem>>) src(%dma_wait3A_85 : memref<90x16xi32, #tpu.memory_space<hbm>>) dst(%arg9 : memref<90x16xi32, #tpu.memory_space<vmem>>)
      %dma_wait3A_86 = arith.constant 0 : i32
      %dma_wait3A_87 = arith.constant 0 : i32
      %dma_wait3A_88 = tpu.memref_slice %arg10[%dma_wait3A_86, %dma_wait3A_87] : memref<93x128xf32, #tpu.memory_space<vmem>> -> memref<92x128xf32, #tpu.memory_space<vmem>>
      %dma_wait3A_89 = arith.constant 0 : i32
      %dma_wait3A_90 = tpu.memref_slice %arg5[%select_n3A, %dma_wait3A_89, %mul3A_32] : memref<8x92x256xf32, #tpu.memory_space<hbm>> -> memref<1x92x128xf32, #tpu.memory_space<hbm>>
      %dma_wait3A_91 = tpu.memref_squeeze %dma_wait3A_90 : memref<1x92x128xf32, #tpu.memory_space<hbm>> -> memref<92x128xf32, #tpu.memory_space<hbm>>
      %dma_wait3A_92 = arith.constant 0 : i32
      %dma_wait3A_93 = arith.constant 0 : i32
      %dma_wait3A_94 = tpu.memref_slice %arg10[%dma_wait3A_92, %dma_wait3A_93] : memref<93x128xf32, #tpu.memory_space<vmem>> -> memref<92x128xf32, #tpu.memory_space<vmem>>
      %dma_wait3A_95 = arith.constant 0 : i32
      %dma_wait3A_96 = tpu.memref_slice %arg5[%select_n3A, %dma_wait3A_95, %mul3A_32] : memref<8x92x256xf32, #tpu.memory_space<hbm>> -> memref<1x92x128xf32, #tpu.memory_space<hbm>>
      %dma_wait3A_97 = tpu.memref_squeeze %dma_wait3A_96 : memref<1x92x128xf32, #tpu.memory_space<hbm>> -> memref<92x128xf32, #tpu.memory_space<hbm>>
      tpu.wait_dma2 semaphore(%arg11 : memref<!tpu.dma_semaphore, #tpu.memory_space<semaphore_mem>>) src(%dma_wait3A_97 : memref<92x128xf32, #tpu.memory_space<hbm>>) dst(%dma_wait3A_94 : memref<92x128xf32, #tpu.memory_space<vmem>>)
      %iota3A = tpu.iota {dimensions = array<i32: 0>} : vector<16xi32>
      %broadcast_in_dim3A = arith.constant 0.000000e+00 : f32
      %broadcast_in_dim3A_98 = vector.broadcast %broadcast_in_dim3A : f32 to vector<16xf32>
      %swap3A = arith.constant 92 : i32
      %swap3A_99 = arith.index_cast %swap3A : i32 to index
      %swap3A_100 = arith.constant 0 : index
      %swap3A_101 = tpu.vector_load %arg10[%swap3A_99, %swap3A_100] {strides = array<i32>} : memref<93x128xf32, #tpu.memory_space<vmem>>, vector<16xf32>,
      tpu.vector_store %arg10[%swap3A_99, %swap3A_100], %broadcast_in_dim3A_98 {strides = array<i32>} : memref<93x128xf32, #tpu.memory_space<vmem>>, vector<16xf32>,
      %swap3A_102 = arith.constant 92 : i32
      %swap3A_103 = arith.index_cast %swap3A_102 : i32 to index
      %swap3A_104 = arith.constant 16 : index
      %swap3A_105 = tpu.vector_load %arg10[%swap3A_103, %swap3A_104] {strides = array<i32>} : memref<93x128xf32, #tpu.memory_space<vmem>>, vector<16xf32>,
      tpu.vector_store %arg10[%swap3A_103, %swap3A_104], %broadcast_in_dim3A_98 {strides = array<i32>} : memref<93x128xf32, #tpu.memory_space<vmem>>, vector<16xf32>,
      %swap3A_106 = arith.constant 92 : i32
      %swap3A_107 = arith.index_cast %swap3A_106 : i32 to index
      %swap3A_108 = arith.constant 32 : index
      %swap3A_109 = tpu.vector_load %arg10[%swap3A_107, %swap3A_108] {strides = array<i32>} : memref<93x128xf32, #tpu.memory_space<vmem>>, vector<16xf32>,
      tpu.vector_store %arg10[%swap3A_107, %swap3A_108], %broadcast_in_dim3A_98 {strides = array<i32>} : memref<93x128xf32, #tpu.memory_space<vmem>>, vector<16xf32>,
      %swap3A_110 = arith.constant 92 : i32
      %swap3A_111 = arith.index_cast %swap3A_110 : i32 to index
      %swap3A_112 = arith.constant 48 : index
      %swap3A_113 = tpu.vector_load %arg10[%swap3A_111, %swap3A_112] {strides = array<i32>} : memref<93x128xf32, #tpu.memory_space<vmem>>, vector<16xf32>,
      tpu.vector_store %arg10[%swap3A_111, %swap3A_112], %broadcast_in_dim3A_98 {strides = array<i32>} : memref<93x128xf32, #tpu.memory_space<vmem>>, vector<16xf32>,
      %swap3A_114 = arith.constant 92 : i32
      %swap3A_115 = arith.index_cast %swap3A_114 : i32 to index
      %swap3A_116 = arith.constant 64 : index
      %swap3A_117 = tpu.vector_load %arg10[%swap3A_115, %swap3A_116] {strides = array<i32>} : memref<93x128xf32, #tpu.memory_space<vmem>>, vector<16xf32>,
      tpu.vector_store %arg10[%swap3A_115, %swap3A_116], %broadcast_in_dim3A_98 {strides = array<i32>} : memref<93x128xf32, #tpu.memory_space<vmem>>, vector<16xf32>,
      %swap3A_118 = arith.constant 92 : i32
      %swap3A_119 = arith.index_cast %swap3A_118 : i32 to index
      %swap3A_120 = arith.constant 80 : index
      %swap3A_121 = tpu.vector_load %arg10[%swap3A_119, %swap3A_120] {strides = array<i32>} : memref<93x128xf32, #tpu.memory_space<vmem>>, vector<16xf32>,
      tpu.vector_store %arg10[%swap3A_119, %swap3A_120], %broadcast_in_dim3A_98 {strides = array<i32>} : memref<93x128xf32, #tpu.memory_space<vmem>>, vector<16xf32>,
      %swap3A_122 = arith.constant 92 : i32
      %swap3A_123 = arith.index_cast %swap3A_122 : i32 to index
      %swap3A_124 = arith.constant 96 : index
      %swap3A_125 = tpu.vector_load %arg10[%swap3A_123, %swap3A_124] {strides = array<i32>} : memref<93x128xf32, #tpu.memory_space<vmem>>, vector<16xf32>,
      tpu.vector_store %arg10[%swap3A_123, %swap3A_124], %broadcast_in_dim3A_98 {strides = array<i32>} : memref<93x128xf32, #tpu.memory_space<vmem>>, vector<16xf32>,
      %swap3A_126 = arith.constant 92 : i32
      %swap3A_127 = arith.index_cast %swap3A_126 : i32 to index
      %swap3A_128 = arith.constant 112 : index
      %swap3A_129 = tpu.vector_load %arg10[%swap3A_127, %swap3A_128] {strides = array<i32>} : memref<93x128xf32, #tpu.memory_space<vmem>>, vector<16xf32>,
      tpu.vector_store %arg10[%swap3A_127, %swap3A_128], %broadcast_in_dim3A_98 {strides = array<i32>} : memref<93x128xf32, #tpu.memory_space<vmem>>, vector<16xf32>,
      %scan3A = arith.constant 0 : i32
      %scan3A_130 = arith.constant 0 : i32
      %scan3A_131 = arith.constant 90 : i32
      %scan3A_132 = arith.addi %scan3A_130, %scan3A_131 : i32
      %scan3A_133 = arith.constant 2 : i32
      scf.for %scan3A_135 = %scan3A_130 to %scan3A_132 step %scan3A_133  : i32 {
        %get3A = arith.index_cast %scan3A_135 : i32 to index
        %get3A_136 = arith.constant 0 : index
        %get3A_137 = tpu.vector_load %arg9[%get3A, %get3A_136] {strides = array<i32>} : memref<90x16xi32, #tpu.memory_space<vmem>>, vector<16xi32>,
        %jit3A_138 = arith.constant 3 : i32
        %eq3A_139 = arith.constant 0 : i32
        %eq3A_140 = arith.cmpi eq, %jit3A_138, %eq3A_139 : i32
        %jit3A_141 = arith.constant 1 : i32
        %select_n3A_142 = arith.select %eq3A_140, %jit3A_141, %jit3A_138 : i32
        %rem3A_143 = arith.remsi %scan3A_135, %select_n3A_142 : i32
        %ne3A_144 = arith.constant 0 : i32
        %ne3A_145 = arith.cmpi ne, %rem3A_143, %ne3A_144 : i32
        %lt3A_146 = arith.constant 0 : i32
        %lt3A_147 = arith.cmpi slt, %rem3A_143, %lt3A_146 : i32
        %lt3A_148 = arith.constant 0 : i32
        %lt3A_149 = arith.cmpi slt, %select_n3A_142, %lt3A_148 : i32
        %ne3A_150 = arith.xori %lt3A_147, %lt3A_149 : i1
        %and3A_151 = arith.andi %ne3A_150, %ne3A_145 : i1
        %add3A_152 = arith.addi %rem3A_143, %select_n3A_142 : i32
        %select_n3A_153 = arith.select %and3A_151, %add3A_152, %rem3A_143 : i32
        %mul3A_154 = arith.constant 30 : i32
        %mul3A_155 = arith.muli %select_n3A_153, %mul3A_154 : i32
        %jit3A_156 = arith.constant 3 : i32
        %div3A_157 = arith.divsi %scan3A_135, %jit3A_156 : i32
        %sign3A_158 = arith.constant 0 : i32
        %sign3A_159 = arith.cmpi sgt, %scan3A_135, %sign3A_158 : i32
        %sign3A_160 = arith.extui %sign3A_159 : i1 to i32
        %sign3A_161 = arith.constant 0 : i32
        %sign3A_162 = arith.cmpi slt, %scan3A_135, %sign3A_161 : i32
        %sign3A_163 = arith.extui %sign3A_162 : i1 to i32
        %sign3A_164 = arith.subi %sign3A_160, %sign3A_163 : i32
        %sign3A_165 = arith.constant 0 : i32
        %sign3A_166 = arith.cmpi sgt, %jit3A_156, %sign3A_165 : i32
        %sign3A_167 = arith.extui %sign3A_166 : i1 to i32
        %sign3A_168 = arith.constant 0 : i32
        %sign3A_169 = arith.cmpi slt, %jit3A_156, %sign3A_168 : i32
        %sign3A_170 = arith.extui %sign3A_169 : i1 to i32
        %sign3A_171 = arith.subi %sign3A_167, %sign3A_170 : i32
        %ne3A_172 = arith.cmpi ne, %sign3A_164, %sign3A_171 : i32
        %rem3A_173 = arith.remsi %scan3A_135, %jit3A_156 : i32
        %ne3A_174 = arith.constant 0 : i32
        %ne3A_175 = arith.cmpi ne, %rem3A_173, %ne3A_174 : i32
        %and3A_176 = arith.andi %ne3A_172, %ne3A_175 : i1
        %sub3A_177 = arith.constant 1 : i32
        %sub3A_178 = arith.subi %div3A_157, %sub3A_177 : i32
        %select_n3A_179 = arith.select %and3A_176, %sub3A_178, %div3A_157 : i32
        %add3A_180 = arith.addi %mul3A_155, %select_n3A_179 : i32
        %parallel_loop3A = arith.constant 0 : i32
        %parallel_loop3A_181 = arith.constant 128 : i32
        %parallel_loop3A_182 = arith.constant 16 : i32
        scf.for %parallel_loop3A_234 = %parallel_loop3A to %parallel_loop3A_181 step %parallel_loop3A_182  : i32 {
          %parallel_loop3A_235 = vector.broadcast %parallel_loop3A_234 : i32 to vector<16xi32>
          %parallel_loop3A_236 = arith.addi %iota3A, %parallel_loop3A_235 : vector<16xi32>
          %parallel_loop3A_237 = tpu.vector_load_idx %arg10[%get3A_137, %parallel_loop3A_236] : memref<93x128xf32, #tpu.memory_space<vmem>>[vector<16xi32>, vector<16xi32>], vector<16xf32>,
          %parallel_loop3A_238 = arith.index_cast %add3A_180 : i32 to index
          %parallel_loop3A_239 = arith.index_cast %parallel_loop3A_234 : i32 to index
          %parallel_loop3A_240 = tpu.vector_load %arg7[%parallel_loop3A_238, %parallel_loop3A_239] {strides = array<i32>} : memref<90x128xf32, #tpu.memory_space<vmem>>, vector<16xf32>,
          %parallel_loop3A_241 = arith.mulf %parallel_loop3A_237, %parallel_loop3A_240 : vector<16xf32>
          %parallel_loop3A_242 = arith.index_cast %add3A_180 : i32 to index
          %parallel_loop3A_243 = arith.index_cast %parallel_loop3A_234 : i32 to index
          %parallel_loop3A_244 = tpu.vector_load %arg8[%parallel_loop3A_242, %parallel_loop3A_243] {strides = array<i32>} : memref<90x128xf32, #tpu.memory_space<vmem>>, vector<16xf32>,
          %parallel_loop3A_245 = arith.addf %parallel_loop3A_241, %parallel_loop3A_244 : vector<16xf32>
          tpu.vector_store_idx %arg10[%get3A_137, %parallel_loop3A_236], %parallel_loop3A_245 : memref<93x128xf32, #tpu.memory_space<vmem>>[vector<16xi32>, vector<16xi32>], vector<16xf32>,
        } {sc.loop_unroll_factor = 8 : i64, sc.parallel_access}
        %scan3A_183 = arith.constant 1 : i32
        %scan3A_184 = arith.addi %scan3A_135, %scan3A_183 : i32
        %get3A_185 = arith.index_cast %scan3A_184 : i32 to index
        %get3A_186 = arith.constant 0 : index
        %get3A_187 = tpu.vector_load %arg9[%get3A_185, %get3A_186] {strides = array<i32>} : memref<90x16xi32, #tpu.memory_space<vmem>>, vector<16xi32>,
        %jit3A_188 = arith.constant 3 : i32
        %eq3A_189 = arith.constant 0 : i32
        %eq3A_190 = arith.cmpi eq, %jit3A_188, %eq3A_189 : i32
        %jit3A_191 = arith.constant 1 : i32
        %select_n3A_192 = arith.select %eq3A_190, %jit3A_191, %jit3A_188 : i32
        %rem3A_193 = arith.remsi %scan3A_184, %select_n3A_192 : i32
        %ne3A_194 = arith.constant 0 : i32
        %ne3A_195 = arith.cmpi ne, %rem3A_193, %ne3A_194 : i32
        %lt3A_196 = arith.constant 0 : i32
        %lt3A_197 = arith.cmpi slt, %rem3A_193, %lt3A_196 : i32
        %lt3A_198 = arith.constant 0 : i32
        %lt3A_199 = arith.cmpi slt, %select_n3A_192, %lt3A_198 : i32
        %ne3A_200 = arith.xori %lt3A_197, %lt3A_199 : i1
        %and3A_201 = arith.andi %ne3A_200, %ne3A_195 : i1
        %add3A_202 = arith.addi %rem3A_193, %select_n3A_192 : i32
        %select_n3A_203 = arith.select %and3A_201, %add3A_202, %rem3A_193 : i32
        %mul3A_204 = arith.constant 30 : i32
        %mul3A_205 = arith.muli %select_n3A_203, %mul3A_204 : i32
        %jit3A_206 = arith.constant 3 : i32
        %div3A_207 = arith.divsi %scan3A_184, %jit3A_206 : i32
        %sign3A_208 = arith.constant 0 : i32
        %sign3A_209 = arith.cmpi sgt, %scan3A_184, %sign3A_208 : i32
        %sign3A_210 = arith.extui %sign3A_209 : i1 to i32
        %sign3A_211 = arith.constant 0 : i32
        %sign3A_212 = arith.cmpi slt, %scan3A_184, %sign3A_211 : i32
        %sign3A_213 = arith.extui %sign3A_212 : i1 to i32
        %sign3A_214 = arith.subi %sign3A_210, %sign3A_213 : i32
        %sign3A_215 = arith.constant 0 : i32
        %sign3A_216 = arith.cmpi sgt, %jit3A_206, %sign3A_215 : i32
        %sign3A_217 = arith.extui %sign3A_216 : i1 to i32
        %sign3A_218 = arith.constant 0 : i32
        %sign3A_219 = arith.cmpi slt, %jit3A_206, %sign3A_218 : i32
        %sign3A_220 = arith.extui %sign3A_219 : i1 to i32
        %sign3A_221 = arith.subi %sign3A_217, %sign3A_220 : i32
        %ne3A_222 = arith.cmpi ne, %sign3A_214, %sign3A_221 : i32
        %rem3A_223 = arith.remsi %scan3A_184, %jit3A_206 : i32
        %ne3A_224 = arith.constant 0 : i32
        %ne3A_225 = arith.cmpi ne, %rem3A_223, %ne3A_224 : i32
        %and3A_226 = arith.andi %ne3A_222, %ne3A_225 : i1
        %sub3A_227 = arith.constant 1 : i32
        %sub3A_228 = arith.subi %div3A_207, %sub3A_227 : i32
        %select_n3A_229 = arith.select %and3A_226, %sub3A_228, %div3A_207 : i32
        %add3A_230 = arith.addi %mul3A_205, %select_n3A_229 : i32
        %parallel_loop3A_231 = arith.constant 0 : i32
        %parallel_loop3A_232 = arith.constant 128 : i32
        %parallel_loop3A_233 = arith.constant 16 : i32
        scf.for %parallel_loop3A_234 = %parallel_loop3A_231 to %parallel_loop3A_232 step %parallel_loop3A_233  : i32 {
          %parallel_loop3A_235 = vector.broadcast %parallel_loop3A_234 : i32 to vector<16xi32>
          %parallel_loop3A_236 = arith.addi %iota3A, %parallel_loop3A_235 : vector<16xi32>
          %parallel_loop3A_237 = tpu.vector_load_idx %arg10[%get3A_187, %parallel_loop3A_236] : memref<93x128xf32, #tpu.memory_space<vmem>>[vector<16xi32>, vector<16xi32>], vector<16xf32>,
          %parallel_loop3A_238 = arith.index_cast %add3A_230 : i32 to index
          %parallel_loop3A_239 = arith.index_cast %parallel_loop3A_234 : i32 to index
          %parallel_loop3A_240 = tpu.vector_load %arg7[%parallel_loop3A_238, %parallel_loop3A_239] {strides = array<i32>} : memref<90x128xf32, #tpu.memory_space<vmem>>, vector<16xf32>,
          %parallel_loop3A_241 = arith.mulf %parallel_loop3A_237, %parallel_loop3A_240 : vector<16xf32>
          %parallel_loop3A_242 = arith.index_cast %add3A_230 : i32 to index
          %parallel_loop3A_243 = arith.index_cast %parallel_loop3A_234 : i32 to index
          %parallel_loop3A_244 = tpu.vector_load %arg8[%parallel_loop3A_242, %parallel_loop3A_243] {strides = array<i32>} : memref<90x128xf32, #tpu.memory_space<vmem>>, vector<16xf32>,
          %parallel_loop3A_245 = arith.addf %parallel_loop3A_241, %parallel_loop3A_244 : vector<16xf32>
          tpu.vector_store_idx %arg10[%get3A_187, %parallel_loop3A_236], %parallel_loop3A_245 : memref<93x128xf32, #tpu.memory_space<vmem>>[vector<16xi32>, vector<16xi32>], vector<16xf32>,
        } {sc.loop_unroll_factor = 8 : i64, sc.parallel_access}
      }
      %scan3A_134 = arith.constant 90 : i32
      "tpu.region"() ({
        %run_scoped3A = tpu.sem_alloc : memref<!tpu.dma_semaphore, #tpu.memory_space<semaphore_mem>>
        %dma_start3A_135 = arith.constant 0 : i32
        %dma_start3A_136 = arith.constant 0 : i32
        %dma_start3A_137 = tpu.memref_slice %arg10[%dma_start3A_135, %dma_start3A_136] : memref<93x128xf32, #tpu.memory_space<vmem>> -> memref<92x128xf32, #tpu.memory_space<vmem>>
        %dma_start3A_138 = arith.constant 0 : i32
        %dma_start3A_139 = tpu.memref_slice %arg6[%select_n3A, %dma_start3A_138, %mul3A_32] : memref<8x92x256xf32, #tpu.memory_space<hbm>> -> memref<1x92x128xf32, #tpu.memory_space<hbm>>
        %dma_start3A_140 = tpu.memref_squeeze %dma_start3A_139 : memref<1x92x128xf32, #tpu.memory_space<hbm>> -> memref<92x128xf32, #tpu.memory_space<hbm>>
        %dma_start3A_141 = arith.constant 0 : i32
        %dma_start3A_142 = tpu.memref_slice %arg6[%select_n3A, %dma_start3A_141, %mul3A_32] : memref<8x92x256xf32, #tpu.memory_space<hbm>> -> memref<1x92x128xf32, #tpu.memory_space<hbm>>
        %dma_start3A_143 = tpu.memref_squeeze %dma_start3A_142 : memref<1x92x128xf32, #tpu.memory_space<hbm>> -> memref<92x128xf32, #tpu.memory_space<hbm>>
        %dma_start3A_144 = arith.constant 0 : i32
        %dma_start3A_145 = arith.constant 0 : i32
        %dma_start3A_146 = tpu.memref_slice %arg10[%dma_start3A_144, %dma_start3A_145] : memref<93x128xf32, #tpu.memory_space<vmem>> -> memref<92x128xf32, #tpu.memory_space<vmem>>
        tpu.enqueue_dma source(%dma_start3A_146 : memref<92x128xf32, #tpu.memory_space<vmem>>) target(%dma_start3A_143 : memref<92x128xf32, #tpu.memory_space<hbm>>) target_semaphore(%run_scoped3A : memref<!tpu.dma_semaphore, #tpu.memory_space<semaphore_mem>>)
        %dma_wait3A_147 = arith.constant 0 : i32
        %dma_wait3A_148 = arith.constant 0 : i32
        %dma_wait3A_149 = tpu.memref_slice %arg10[%dma_wait3A_147, %dma_wait3A_148] : memref<93x128xf32, #tpu.memory_space<vmem>> -> memref<92x128xf32, #tpu.memory_space<vmem>>
        %dma_wait3A_150 = arith.constant 0 : i32
        %dma_wait3A_151 = tpu.memref_slice %arg6[%select_n3A, %dma_wait3A_150, %mul3A_32] : memref<8x92x256xf32, #tpu.memory_space<hbm>> -> memref<1x92x128xf32, #tpu.memory_space<hbm>>
        %dma_wait3A_152 = tpu.memref_squeeze %dma_wait3A_151 : memref<1x92x128xf32, #tpu.memory_space<hbm>> -> memref<92x128xf32, #tpu.memory_space<hbm>>
        %dma_wait3A_153 = arith.constant 0 : i32
        %dma_wait3A_154 = tpu.memref_slice %arg6[%select_n3A, %dma_wait3A_153, %mul3A_32] : memref<8x92x256xf32, #tpu.memory_space<hbm>> -> memref<1x92x128xf32, #tpu.memory_space<hbm>>
        %dma_wait3A_155 = tpu.memref_squeeze %dma_wait3A_154 : memref<1x92x128xf32, #tpu.memory_space<hbm>> -> memref<92x128xf32, #tpu.memory_space<hbm>>
        %dma_wait3A_156 = arith.constant 0 : i32
        %dma_wait3A_157 = arith.constant 0 : i32
        %dma_wait3A_158 = tpu.memref_slice %arg10[%dma_wait3A_156, %dma_wait3A_157] : memref<93x128xf32, #tpu.memory_space<vmem>> -> memref<92x128xf32, #tpu.memory_space<vmem>>
        tpu.wait_dma2 semaphore(%run_scoped3A : memref<!tpu.dma_semaphore, #tpu.memory_space<semaphore_mem>>) src(%dma_wait3A_158 : memref<92x128xf32, #tpu.memory_space<vmem>>) dst(%dma_wait3A_155 : memref<92x128xf32, #tpu.memory_space<hbm>>)
        tpu.yield
      }) : () -> ()
    } else {
    }
    return
  }
}

module attributes {stable_mosaic.version = 14 : i64} {
  func.func @_tc_body(%arg0: memref<720x256xf32, #tpu.memory_space<vmem>>, %arg1: memref<256x256xf32, #tpu.memory_space<vmem>>, %arg2: memref<256xf32, #tpu.memory_space<vmem>>, %arg3: memref<256x256xf32, #tpu.memory_space<vmem>>, %arg4: memref<256xf32, #tpu.memory_space<vmem>>, %arg5: memref<8x64xf32, #tpu.memory_space<vmem>>, %arg6: memref<512x64xf32, #tpu.memory_space<vmem>>, %arg7: memref<512xf32, #tpu.memory_space<vmem>>, %arg8: memref<64x512xf32, #tpu.memory_space<vmem>>, %arg9: memref<64xf32, #tpu.memory_space<vmem>>, %arg10: memref<256x64xf32, #tpu.memory_space<vmem>>, %arg11: memref<256xf32, #tpu.memory_space<vmem>>, %arg12: memref<8x10xi32, #tpu.memory_space<vmem>>, %arg13: memref<8x90xf32, #tpu.memory_space<vmem>>, %arg14: memref<256xf32, #tpu.memory_space<vmem>>, %arg15: memref<256xf32, #tpu.memory_space<vmem>>, %arg16: memref<8x90x256xf32, #tpu.memory_space<hbm>>, %arg17: memref<8x90x256xf32, #tpu.memory_space<hbm>>, %arg18: memref<8x90x16xi32, #tpu.memory_space<hbm>>, %arg19: memref<8x92x256xf32, #tpu.memory_space<hbm>>, %arg20: memref<8x90x256xf32, #tpu.memory_space<vmem>>, %arg21: memref<8x90x256xf32, #tpu.memory_space<vmem>>, %arg22: memref<8x90x16xi32, #tpu.memory_space<vmem>>, %arg23: memref<8x92x256xf32, #tpu.memory_space<vmem>>, %arg24: memref<!tpu.dma_semaphore, #tpu.memory_space<semaphore_mem>>) attributes {dimension_semantics = [], scalar_prefetch = 0 : i64, scratch_operands = 5 : i64, tpu.core_type = #tpu.core_type<tc>} {
    %get3A = arith.constant 0 : index
    %get3A_0 = arith.constant 0 : index
    %get3A_1 = vector.load %arg0[%get3A, %get3A_0] : memref<720x256xf32, #tpu.memory_space<vmem>>, vector<720x256xf32>
    %get3A_2 = arith.constant 0 : index
    %get3A_3 = arith.constant 0 : index
    %get3A_4 = vector.load %arg1[%get3A_2, %get3A_3] : memref<256x256xf32, #tpu.memory_space<vmem>>, vector<256x256xf32>
    %dot_general3A = arith.constant dense<0.000000e+00> : vector<720x256xf32>
    %dot_general3A_5 = tpu.matmul %get3A_1, %get3A_4, %dot_general3A {dimension_numbers = #tpu.dot_dimension_numbers<[1], [1], [0], [0], [0, 0, 1, 0], [], []>, transpose_lhs_hint = false} : vector<720x256xf32>, vector<256x256xf32>, vector<720x256xf32> -> vector<720x256xf32>
    %get3A_6 = arith.constant 0 : index
    %get3A_7 = vector.load %arg2[%get3A_6] : memref<256xf32, #tpu.memory_space<vmem>>, vector<256xf32>
    %broadcast_in_dim3A = vector.shape_cast %get3A_7 : vector<256xf32> to vector<1x256xf32>
    %add3A = vector.broadcast %broadcast_in_dim3A : vector<1x256xf32> to vector<720x256xf32>
    %add3A_8 = arith.addf %dot_general3A_5, %add3A : vector<720x256xf32>
    %logistic3A = arith.negf %add3A_8 : vector<720x256xf32>
    %logistic3A_9 = math.exp %logistic3A : vector<720x256xf32>
    %logistic3A_10 = arith.constant 1.000000e+00 : f32
    %logistic3A_11 = vector.broadcast %logistic3A_10 : f32 to vector<720x256xf32>
    %logistic3A_12 = arith.addf %logistic3A_11, %logistic3A_9 : vector<720x256xf32>
    %logistic3A_13 = arith.divf %logistic3A_11, %logistic3A_12 : vector<720x256xf32>
    %get3A_14 = arith.constant 0 : index
    %get3A_15 = arith.constant 0 : index
    %get3A_16 = vector.load %arg3[%get3A_14, %get3A_15] : memref<256x256xf32, #tpu.memory_space<vmem>>, vector<256x256xf32>
    %dot_general3A_17 = arith.constant dense<0.000000e+00> : vector<720x256xf32>
    %dot_general3A_18 = tpu.matmul %get3A_1, %get3A_16, %dot_general3A_17 {dimension_numbers = #tpu.dot_dimension_numbers<[1], [1], [0], [0], [0, 0, 1, 0], [], []>, transpose_lhs_hint = false} : vector<720x256xf32>, vector<256x256xf32>, vector<720x256xf32> -> vector<720x256xf32>
    %get3A_19 = arith.constant 0 : index
    %get3A_20 = vector.load %arg4[%get3A_19] : memref<256xf32, #tpu.memory_space<vmem>>, vector<256xf32>
    %broadcast_in_dim3A_21 = vector.shape_cast %get3A_20 : vector<256xf32> to vector<1x256xf32>
    %add3A_22 = vector.broadcast %broadcast_in_dim3A_21 : vector<1x256xf32> to vector<720x256xf32>
    %add3A_23 = arith.addf %dot_general3A_18, %add3A_22 : vector<720x256xf32>
    %tanh3A = math.tanh %add3A_23 : vector<720x256xf32>
    %reshape3A = vector.shape_cast %logistic3A_13 : vector<720x256xf32> to vector<240x3x256xf32>
    %reshape3A_24 = vector.shape_cast %tanh3A : vector<720x256xf32> to vector<240x3x256xf32>
    %slice3A = vector.extract_strided_slice %reshape3A {offsets = [0, 1, 0], sizes = [240, 1, 256], strides = [1, 1, 1]} : vector<240x3x256xf32> to vector<240x1x256xf32>
    %squeeze3A = vector.shape_cast %slice3A : vector<240x1x256xf32> to vector<240x256xf32>
    %mul3A = arith.constant 5.000000e-01 : f32
    %mul3A_25 = vector.broadcast %mul3A : f32 to vector<240x256xf32>
    %mul3A_26 = arith.mulf %mul3A_25, %squeeze3A : vector<240x256xf32>
    %sub3A = arith.constant 1.000000e+00 : f32
    %sub3A_27 = vector.broadcast %sub3A : f32 to vector<240x256xf32>
    %sub3A_28 = arith.subf %sub3A_27, %mul3A_26 : vector<240x256xf32>
    %slice3A_29 = vector.extract_strided_slice %reshape3A {offsets = [0, 2, 0], sizes = [240, 1, 256], strides = [1, 1, 1]} : vector<240x3x256xf32> to vector<240x1x256xf32>
    %squeeze3A_30 = vector.shape_cast %slice3A_29 : vector<240x1x256xf32> to vector<240x256xf32>
    %mul3A_31 = arith.constant 5.000000e-01 : f32
    %mul3A_32 = vector.broadcast %mul3A_31 : f32 to vector<240x256xf32>
    %mul3A_33 = arith.mulf %mul3A_32, %squeeze3A_30 : vector<240x256xf32>
    %sub3A_34 = arith.constant 1.000000e+00 : f32
    %sub3A_35 = vector.broadcast %sub3A_34 : f32 to vector<240x256xf32>
    %sub3A_36 = arith.subf %sub3A_35, %mul3A_33 : vector<240x256xf32>
    %slice3A_37 = vector.extract_strided_slice %reshape3A {offsets = [0, 2, 0], sizes = [240, 1, 256], strides = [1, 1, 1]} : vector<240x3x256xf32> to vector<240x1x256xf32>
    %squeeze3A_38 = vector.shape_cast %slice3A_37 : vector<240x1x256xf32> to vector<240x256xf32>
    %mul3A_39 = arith.constant 2.500000e-01 : f32
    %mul3A_40 = vector.broadcast %mul3A_39 : f32 to vector<240x256xf32>
    %mul3A_41 = arith.mulf %mul3A_40, %squeeze3A_38 : vector<240x256xf32>
    %sub3A_42 = arith.constant 1.000000e+00 : f32
    %sub3A_43 = vector.broadcast %sub3A_42 : f32 to vector<240x256xf32>
    %sub3A_44 = arith.subf %sub3A_43, %mul3A_41 : vector<240x256xf32>
    %slice3A_45 = vector.extract_strided_slice %reshape3A_24 {offsets = [0, 0, 0], sizes = [240, 1, 256], strides = [1, 1, 1]} : vector<240x3x256xf32> to vector<240x1x256xf32>
    %squeeze3A_46 = vector.shape_cast %slice3A_45 : vector<240x1x256xf32> to vector<240x256xf32>
    %slice3A_47 = vector.extract_strided_slice %reshape3A_24 {offsets = [0, 1, 0], sizes = [240, 1, 256], strides = [1, 1, 1]} : vector<240x3x256xf32> to vector<240x1x256xf32>
    %squeeze3A_48 = vector.shape_cast %slice3A_47 : vector<240x1x256xf32> to vector<240x256xf32>
    %slice3A_49 = vector.extract_strided_slice %reshape3A_24 {offsets = [0, 2, 0], sizes = [240, 1, 256], strides = [1, 1, 1]} : vector<240x3x256xf32> to vector<240x1x256xf32>
    %squeeze3A_50 = vector.shape_cast %slice3A_49 : vector<240x1x256xf32> to vector<240x256xf32>
    %slice3A_51 = vector.extract_strided_slice %reshape3A {offsets = [0, 2, 0], sizes = [240, 1, 256], strides = [1, 1, 1]} : vector<240x3x256xf32> to vector<240x1x256xf32>
    %squeeze3A_52 = vector.shape_cast %slice3A_51 : vector<240x1x256xf32> to vector<240x256xf32>
    %sub3A_53 = arith.constant 1.000000e+00 : f32
    %sub3A_54 = vector.broadcast %sub3A_53 : f32 to vector<240x256xf32>
    %sub3A_55 = arith.subf %sub3A_54, %squeeze3A_52 : vector<240x256xf32>
    %slice3A_56 = vector.extract_strided_slice %reshape3A {offsets = [0, 1, 0], sizes = [240, 1, 256], strides = [1, 1, 1]} : vector<240x3x256xf32> to vector<240x1x256xf32>
    %squeeze3A_57 = vector.shape_cast %slice3A_56 : vector<240x1x256xf32> to vector<240x256xf32>
    %sub3A_58 = arith.constant 1.000000e+00 : f32
    %sub3A_59 = vector.broadcast %sub3A_58 : f32 to vector<240x256xf32>
    %sub3A_60 = arith.subf %sub3A_59, %squeeze3A_57 : vector<240x256xf32>
    %mul3A_61 = arith.mulf %sub3A_60, %sub3A_36 : vector<240x256xf32>
    %mul3A_62 = arith.mulf %squeeze3A_48, %sub3A_36 : vector<240x256xf32>
    %mul3A_63 = arith.constant 5.000000e-01 : f32
    %mul3A_64 = vector.broadcast %mul3A_63 : f32 to vector<240x256xf32>
    %mul3A_65 = arith.mulf %mul3A_64, %squeeze3A_50 : vector<240x256xf32>
    %add3A_66 = arith.addf %mul3A_62, %mul3A_65 : vector<240x256xf32>
    %slice3A_67 = vector.extract_strided_slice %reshape3A {offsets = [0, 0, 0], sizes = [240, 1, 256], strides = [1, 1, 1]} : vector<240x3x256xf32> to vector<240x1x256xf32>
    %squeeze3A_68 = vector.shape_cast %slice3A_67 : vector<240x1x256xf32> to vector<240x256xf32>
    %sub3A_69 = arith.constant 1.000000e+00 : f32
    %sub3A_70 = vector.broadcast %sub3A_69 : f32 to vector<240x256xf32>
    %sub3A_71 = arith.subf %sub3A_70, %squeeze3A_68 : vector<240x256xf32>
    %mul3A_72 = arith.mulf %sub3A_71, %sub3A_28 : vector<240x256xf32>
    %mul3A_73 = arith.mulf %mul3A_72, %sub3A_44 : vector<240x256xf32>
    %mul3A_74 = arith.mulf %squeeze3A_46, %sub3A_28 : vector<240x256xf32>
    %mul3A_75 = arith.mulf %mul3A_74, %sub3A_44 : vector<240x256xf32>
    %mul3A_76 = arith.constant 5.000000e-01 : f32
    %mul3A_77 = vector.broadcast %mul3A_76 : f32 to vector<240x256xf32>
    %mul3A_78 = arith.mulf %mul3A_77, %squeeze3A_48 : vector<240x256xf32>
    %mul3A_79 = arith.mulf %mul3A_78, %sub3A_44 : vector<240x256xf32>
    %add3A_80 = arith.addf %mul3A_75, %mul3A_79 : vector<240x256xf32>
    %mul3A_81 = arith.constant 2.500000e-01 : f32
    %mul3A_82 = vector.broadcast %mul3A_81 : f32 to vector<240x256xf32>
    %mul3A_83 = arith.mulf %mul3A_82, %squeeze3A_50 : vector<240x256xf32>
    %add3A_84 = arith.addf %add3A_80, %mul3A_83 : vector<240x256xf32>
    %reshape3A_85 = vector.shape_cast %mul3A_73 : vector<240x256xf32> to vector<8x30x256xf32>
    %reshape3A_86 = vector.shape_cast %mul3A_61 : vector<240x256xf32> to vector<8x30x256xf32>
    %reshape3A_87 = vector.shape_cast %sub3A_55 : vector<240x256xf32> to vector<8x30x256xf32>
    %stack3A = vector.shape_cast %reshape3A_85 : vector<8x30x256xf32> to vector<8x1x30x256xf32>
    %stack3A_88 = vector.shape_cast %reshape3A_86 : vector<8x30x256xf32> to vector<8x1x30x256xf32>
    %stack3A_89 = vector.shape_cast %reshape3A_87 : vector<8x30x256xf32> to vector<8x1x30x256xf32>
    %stack3A_90 = tpu.concatenate %stack3A, %stack3A_88, %stack3A_89 in 1 : vector<8x1x30x256xf32>, vector<8x1x30x256xf32>, vector<8x1x30x256xf32> -> vector<8x3x30x256xf32>
    %reshape3A_91 = vector.shape_cast %stack3A_90 : vector<8x3x30x256xf32> to vector<8x90x256xf32>
    %swap3A = arith.constant 0 : index
    %swap3A_92 = arith.constant 0 : index
    %swap3A_93 = arith.constant 0 : index
    %swap3A_94 = vector.load %arg20[%swap3A, %swap3A_92, %swap3A_93] : memref<8x90x256xf32, #tpu.memory_space<vmem>>, vector<8x90x256xf32>
    tpu.vector_store %arg20[%swap3A, %swap3A_92, %swap3A_93], %reshape3A_91 {strides = array<i32>} : memref<8x90x256xf32, #tpu.memory_space<vmem>>, vector<8x90x256xf32>,
    %reshape3A_95 = vector.shape_cast %add3A_84 : vector<240x256xf32> to vector<8x30x256xf32>
    %reshape3A_96 = vector.shape_cast %add3A_66 : vector<240x256xf32> to vector<8x30x256xf32>
    %reshape3A_97 = vector.shape_cast %squeeze3A_50 : vector<240x256xf32> to vector<8x30x256xf32>
    %stack3A_98 = vector.shape_cast %reshape3A_95 : vector<8x30x256xf32> to vector<8x1x30x256xf32>
    %stack3A_99 = vector.shape_cast %reshape3A_96 : vector<8x30x256xf32> to vector<8x1x30x256xf32>
    %stack3A_100 = vector.shape_cast %reshape3A_97 : vector<8x30x256xf32> to vector<8x1x30x256xf32>
    %stack3A_101 = tpu.concatenate %stack3A_98, %stack3A_99, %stack3A_100 in 1 : vector<8x1x30x256xf32>, vector<8x1x30x256xf32>, vector<8x1x30x256xf32> -> vector<8x3x30x256xf32>
    %reshape3A_102 = vector.shape_cast %stack3A_101 : vector<8x3x30x256xf32> to vector<8x90x256xf32>
    %swap3A_103 = arith.constant 0 : index
    %swap3A_104 = arith.constant 0 : index
    %swap3A_105 = arith.constant 0 : index
    %swap3A_106 = vector.load %arg21[%swap3A_103, %swap3A_104, %swap3A_105] : memref<8x90x256xf32, #tpu.memory_space<vmem>>, vector<8x90x256xf32>
    tpu.vector_store %arg21[%swap3A_103, %swap3A_104, %swap3A_105], %reshape3A_102 {strides = array<i32>} : memref<8x90x256xf32, #tpu.memory_space<vmem>>, vector<8x90x256xf32>,
    tpu.enqueue_dma source(%arg20 : memref<8x90x256xf32, #tpu.memory_space<vmem>>) target(%arg16 : memref<8x90x256xf32, #tpu.memory_space<hbm>>) target_semaphore(%arg24 : memref<!tpu.dma_semaphore, #tpu.memory_space<semaphore_mem>>)
    tpu.enqueue_dma source(%arg21 : memref<8x90x256xf32, #tpu.memory_space<vmem>>) target(%arg17 : memref<8x90x256xf32, #tpu.memory_space<hbm>>) target_semaphore(%arg24 : memref<!tpu.dma_semaphore, #tpu.memory_space<semaphore_mem>>)
    %get3A_107 = arith.constant 0 : index
    %get3A_108 = arith.constant 0 : index
    %get3A_109 = vector.load %arg5[%get3A_107, %get3A_108] : memref<8x64xf32, #tpu.memory_space<vmem>>, vector<8x64xf32>
    %get3A_110 = arith.constant 0 : index
    %get3A_111 = arith.constant 0 : index
    %get3A_112 = vector.load %arg6[%get3A_110, %get3A_111] : memref<512x64xf32, #tpu.memory_space<vmem>>, vector<512x64xf32>
    %dot_general3A_113 = arith.constant dense<0.000000e+00> : vector<8x512xf32>
    %dot_general3A_114 = tpu.matmul %get3A_109, %get3A_112, %dot_general3A_113 {dimension_numbers = #tpu.dot_dimension_numbers<[1], [1], [0], [0], [0, 0, 1, 0], [], []>, transpose_lhs_hint = false} : vector<8x64xf32>, vector<512x64xf32>, vector<8x512xf32> -> vector<8x512xf32>
    %get3A_115 = arith.constant 0 : index
    %get3A_116 = vector.load %arg7[%get3A_115] : memref<512xf32, #tpu.memory_space<vmem>>, vector<512xf32>
    %broadcast_in_dim3A_117 = vector.shape_cast %get3A_116 : vector<512xf32> to vector<1x512xf32>
    %add3A_118 = vector.broadcast %broadcast_in_dim3A_117 : vector<1x512xf32> to vector<8x512xf32>
    %add3A_119 = arith.addf %dot_general3A_114, %add3A_118 : vector<8x512xf32>
    %max3A = arith.constant 0.000000e+00 : f32
    %max3A_120 = vector.broadcast %max3A : f32 to vector<8x512xf32>
    %max3A_121 = arith.maximumf %add3A_119, %max3A_120 : vector<8x512xf32>
    %get3A_122 = arith.constant 0 : index
    %get3A_123 = arith.constant 0 : index
    %get3A_124 = vector.load %arg8[%get3A_122, %get3A_123] : memref<64x512xf32, #tpu.memory_space<vmem>>, vector<64x512xf32>
    %dot_general3A_125 = arith.constant dense<0.000000e+00> : vector<8x64xf32>
    %dot_general3A_126 = tpu.matmul %max3A_121, %get3A_124, %dot_general3A_125 {dimension_numbers = #tpu.dot_dimension_numbers<[1], [1], [0], [0], [0, 0, 1, 0], [], []>, transpose_lhs_hint = false} : vector<8x512xf32>, vector<64x512xf32>, vector<8x64xf32> -> vector<8x64xf32>
    %get3A_127 = arith.constant 0 : index
    %get3A_128 = vector.load %arg9[%get3A_127] : memref<64xf32, #tpu.memory_space<vmem>>, vector<64xf32>
    %broadcast_in_dim3A_129 = vector.shape_cast %get3A_128 : vector<64xf32> to vector<1x64xf32>
    %add3A_130 = vector.broadcast %broadcast_in_dim3A_129 : vector<1x64xf32> to vector<8x64xf32>
    %add3A_131 = arith.addf %dot_general3A_126, %add3A_130 : vector<8x64xf32>
    %add3A_132 = arith.addf %add3A_131, %get3A_109 : vector<8x64xf32>
    %get3A_133 = arith.constant 0 : index
    %get3A_134 = arith.constant 0 : index
    %get3A_135 = vector.load %arg10[%get3A_133, %get3A_134] : memref<256x64xf32, #tpu.memory_space<vmem>>, vector<256x64xf32>
    %dot_general3A_136 = arith.constant dense<0.000000e+00> : vector<8x256xf32>
    %dot_general3A_137 = tpu.matmul %add3A_132, %get3A_135, %dot_general3A_136 {dimension_numbers = #tpu.dot_dimension_numbers<[1], [1], [0], [0], [0, 0, 1, 0], [], []>, transpose_lhs_hint = false} : vector<8x64xf32>, vector<256x64xf32>, vector<8x256xf32> -> vector<8x256xf32>
    %get3A_138 = arith.constant 0 : index
    %get3A_139 = vector.load %arg11[%get3A_138] : memref<256xf32, #tpu.memory_space<vmem>>, vector<256xf32>
    %broadcast_in_dim3A_140 = vector.shape_cast %get3A_139 : vector<256xf32> to vector<1x256xf32>
    %add3A_141 = vector.broadcast %broadcast_in_dim3A_140 : vector<1x256xf32> to vector<8x256xf32>
    %add3A_142 = arith.addf %dot_general3A_137, %add3A_141 : vector<8x256xf32>
    %iota3A = tpu.iota {dimensions = array<i32: 0>} : vector<90x90xi32>
    %iota3A_143 = tpu.iota {dimensions = array<i32: 1>} : vector<90x90xi32>
    %jit3A = arith.constant 3 : i32
    %eq3A = arith.constant 0 : i32
    %eq3A_144 = arith.cmpi eq, %jit3A, %eq3A : i32
    %jit3A_145 = arith.constant 1 : i32
    %select_n3A = arith.select %eq3A_144, %jit3A_145, %jit3A : i32
    %rem3A = vector.broadcast %select_n3A : i32 to vector<90x90xi32>
    %rem3A_146 = arith.remsi %iota3A, %rem3A : vector<90x90xi32>
    %ne3A = arith.constant 0 : i32
    %ne3A_147 = vector.broadcast %ne3A : i32 to vector<90x90xi32>
    %ne3A_148 = arith.cmpi ne, %rem3A_146, %ne3A_147 : vector<90x90xi32>
    %lt3A = arith.constant 0 : i32
    %lt3A_149 = vector.broadcast %lt3A : i32 to vector<90x90xi32>
    %lt3A_150 = arith.cmpi slt, %rem3A_146, %lt3A_149 : vector<90x90xi32>
    %lt3A_151 = arith.constant 0 : i32
    %lt3A_152 = arith.cmpi slt, %select_n3A, %lt3A_151 : i32
    %ne3A_153 = vector.broadcast %lt3A_152 : i1 to vector<90x90xi1>
    %ne3A_154 = vector.broadcast %ne3A_153 : vector<90x90xi1> to vector<90x90xi1>
    %ne3A_155 = arith.xori %lt3A_150, %ne3A_154 : vector<90x90xi1>
    %and3A = arith.andi %ne3A_155, %ne3A_148 : vector<90x90xi1>
    %add3A_156 = vector.broadcast %select_n3A : i32 to vector<90x90xi32>
    %add3A_157 = arith.addi %rem3A_146, %add3A_156 : vector<90x90xi32>
    %select_n3A_158 = arith.select %and3A, %add3A_157, %rem3A_146 : vector<90x90xi1>, vector<90x90xi32>
    %jit3A_159 = arith.constant 3 : i32
    %eq3A_160 = arith.constant 0 : i32
    %eq3A_161 = arith.cmpi eq, %jit3A_159, %eq3A_160 : i32
    %jit3A_162 = arith.constant 1 : i32
    %select_n3A_163 = arith.select %eq3A_161, %jit3A_162, %jit3A_159 : i32
    %rem3A_164 = vector.broadcast %select_n3A_163 : i32 to vector<90x90xi32>
    %rem3A_165 = arith.remsi %iota3A_143, %rem3A_164 : vector<90x90xi32>
    %ne3A_166 = arith.constant 0 : i32
    %ne3A_167 = vector.broadcast %ne3A_166 : i32 to vector<90x90xi32>
    %ne3A_168 = arith.cmpi ne, %rem3A_165, %ne3A_167 : vector<90x90xi32>
    %lt3A_169 = arith.constant 0 : i32
    %lt3A_170 = vector.broadcast %lt3A_169 : i32 to vector<90x90xi32>
    %lt3A_171 = arith.cmpi slt, %rem3A_165, %lt3A_170 : vector<90x90xi32>
    %lt3A_172 = arith.constant 0 : i32
    %lt3A_173 = arith.cmpi slt, %select_n3A_163, %lt3A_172 : i32
    %ne3A_174 = vector.broadcast %lt3A_173 : i1 to vector<90x90xi1>
    %ne3A_175 = vector.broadcast %ne3A_174 : vector<90x90xi1> to vector<90x90xi1>
    %ne3A_176 = arith.xori %lt3A_171, %ne3A_175 : vector<90x90xi1>
    %and3A_177 = arith.andi %ne3A_176, %ne3A_168 : vector<90x90xi1>
    %add3A_178 = vector.broadcast %select_n3A_163 : i32 to vector<90x90xi32>
    %add3A_179 = arith.addi %rem3A_165, %add3A_178 : vector<90x90xi32>
    %select_n3A_180 = arith.select %and3A_177, %add3A_179, %rem3A_165 : vector<90x90xi1>, vector<90x90xi32>
    %eq3A_181 = arith.constant 0 : i32
    %eq3A_182 = vector.broadcast %eq3A_181 : i32 to vector<90x90xi32>
    %eq3A_183 = arith.cmpi eq, %select_n3A_158, %eq3A_182 : vector<90x90xi32>
    %eq3A_184 = arith.constant 1 : i32
    %eq3A_185 = vector.broadcast %eq3A_184 : i32 to vector<90x90xi32>
    %eq3A_186 = arith.cmpi eq, %select_n3A_158, %eq3A_185 : vector<90x90xi32>
    %jit3A_187 = arith.constant 5.100000e+01 : f32
    %jit3A_188 = arith.constant 2.601000e+03 : f32
    %broadcast_in_dim3A_189 = vector.broadcast %jit3A_187 : f32 to vector<90x90xf32>
    %broadcast_in_dim3A_190 = vector.broadcast %jit3A_188 : f32 to vector<90x90xf32>
    %select_n3A_191 = arith.select %eq3A_186, %broadcast_in_dim3A_189, %broadcast_in_dim3A_190 : vector<90x90xi1>, vector<90x90xf32>
    %jit3A_192 = arith.constant 1.000000e+00 : f32
    %broadcast_in_dim3A_193 = vector.broadcast %jit3A_192 : f32 to vector<90x90xf32>
    %select_n3A_194 = arith.select %eq3A_183, %broadcast_in_dim3A_193, %select_n3A_191 : vector<90x90xi1>, vector<90x90xf32>
    %jit3A_195 = arith.constant 3 : i32
    %div3A = vector.broadcast %jit3A_195 : i32 to vector<90x90xi32>
    %div3A_196 = arith.divsi %iota3A, %div3A : vector<90x90xi32>
    %sign3A = arith.constant 0 : i32
    %sign3A_197 = vector.broadcast %sign3A : i32 to vector<90x90xi32>
    %sign3A_198 = arith.cmpi sgt, %iota3A, %sign3A_197 : vector<90x90xi32>
    %sign3A_199 = arith.extui %sign3A_198 : vector<90x90xi1> to vector<90x90xi32>
    %sign3A_200 = arith.constant 0 : i32
    %sign3A_201 = vector.broadcast %sign3A_200 : i32 to vector<90x90xi32>
    %sign3A_202 = arith.cmpi slt, %iota3A, %sign3A_201 : vector<90x90xi32>
    %sign3A_203 = arith.extui %sign3A_202 : vector<90x90xi1> to vector<90x90xi32>
    %sign3A_204 = arith.subi %sign3A_199, %sign3A_203 : vector<90x90xi32>
    %sign3A_205 = arith.constant 0 : i32
    %sign3A_206 = arith.cmpi sgt, %jit3A_195, %sign3A_205 : i32
    %sign3A_207 = arith.extui %sign3A_206 : i1 to i32
    %sign3A_208 = arith.constant 0 : i32
    %sign3A_209 = arith.cmpi slt, %jit3A_195, %sign3A_208 : i32
    %sign3A_210 = arith.extui %sign3A_209 : i1 to i32
    %sign3A_211 = arith.subi %sign3A_207, %sign3A_210 : i32
    %ne3A_212 = vector.broadcast %sign3A_211 : i32 to vector<90x90xi32>
    %ne3A_213 = arith.cmpi ne, %sign3A_204, %ne3A_212 : vector<90x90xi32>
    %rem3A_214 = vector.broadcast %jit3A_195 : i32 to vector<90x90xi32>
    %rem3A_215 = arith.remsi %iota3A, %rem3A_214 : vector<90x90xi32>
    %ne3A_216 = arith.constant 0 : i32
    %ne3A_217 = vector.broadcast %ne3A_216 : i32 to vector<90x90xi32>
    %ne3A_218 = arith.cmpi ne, %rem3A_215, %ne3A_217 : vector<90x90xi32>
    %and3A_219 = arith.andi %ne3A_213, %ne3A_218 : vector<90x90xi1>
    %sub3A_220 = arith.constant 1 : i32
    %sub3A_221 = vector.broadcast %sub3A_220 : i32 to vector<90x90xi32>
    %sub3A_222 = arith.subi %div3A_196, %sub3A_221 : vector<90x90xi32>
    %select_n3A_223 = arith.select %and3A_219, %sub3A_222, %div3A_196 : vector<90x90xi1>, vector<90x90xi32>
    %jit3A_224 = arith.constant 3 : i32
    %div3A_225 = vector.broadcast %jit3A_224 : i32 to vector<90x90xi32>
    %div3A_226 = arith.divsi %iota3A_143, %div3A_225 : vector<90x90xi32>
    %sign3A_227 = arith.constant 0 : i32
    %sign3A_228 = vector.broadcast %sign3A_227 : i32 to vector<90x90xi32>
    %sign3A_229 = arith.cmpi sgt, %iota3A_143, %sign3A_228 : vector<90x90xi32>
    %sign3A_230 = arith.extui %sign3A_229 : vector<90x90xi1> to vector<90x90xi32>
    %sign3A_231 = arith.constant 0 : i32
    %sign3A_232 = vector.broadcast %sign3A_231 : i32 to vector<90x90xi32>
    %sign3A_233 = arith.cmpi slt, %iota3A_143, %sign3A_232 : vector<90x90xi32>
    %sign3A_234 = arith.extui %sign3A_233 : vector<90x90xi1> to vector<90x90xi32>
    %sign3A_235 = arith.subi %sign3A_230, %sign3A_234 : vector<90x90xi32>
    %sign3A_236 = arith.constant 0 : i32
    %sign3A_237 = arith.cmpi sgt, %jit3A_224, %sign3A_236 : i32
    %sign3A_238 = arith.extui %sign3A_237 : i1 to i32
    %sign3A_239 = arith.constant 0 : i32
    %sign3A_240 = arith.cmpi slt, %jit3A_224, %sign3A_239 : i32
    %sign3A_241 = arith.extui %sign3A_240 : i1 to i32
    %sign3A_242 = arith.subi %sign3A_238, %sign3A_241 : i32
    %ne3A_243 = vector.broadcast %sign3A_242 : i32 to vector<90x90xi32>
    %ne3A_244 = arith.cmpi ne, %sign3A_235, %ne3A_243 : vector<90x90xi32>
    %rem3A_245 = vector.broadcast %jit3A_224 : i32 to vector<90x90xi32>
    %rem3A_246 = arith.remsi %iota3A_143, %rem3A_245 : vector<90x90xi32>
    %ne3A_247 = arith.constant 0 : i32
    %ne3A_248 = vector.broadcast %ne3A_247 : i32 to vector<90x90xi32>
    %ne3A_249 = arith.cmpi ne, %rem3A_246, %ne3A_248 : vector<90x90xi32>
    %and3A_250 = arith.andi %ne3A_244, %ne3A_249 : vector<90x90xi1>
    %sub3A_251 = arith.constant 1 : i32
    %sub3A_252 = vector.broadcast %sub3A_251 : i32 to vector<90x90xi32>
    %sub3A_253 = arith.subi %div3A_226, %sub3A_252 : vector<90x90xi32>
    %select_n3A_254 = arith.select %and3A_250, %sub3A_253, %div3A_226 : vector<90x90xi1>, vector<90x90xi32>
    %eq3A_255 = arith.cmpi eq, %select_n3A_223, %select_n3A_254 : vector<90x90xi32>
    %le3A = arith.cmpi sle, %select_n3A_158, %select_n3A_180 : vector<90x90xi32>
    %and3A_256 = arith.andi %eq3A_255, %le3A : vector<90x90xi1>
    %jit3A_257 = arith.constant 0.000000e+00 : f32
    %broadcast_in_dim3A_258 = vector.broadcast %jit3A_257 : f32 to vector<90x90xf32>
    %select_n3A_259 = arith.select %and3A_256, %select_n3A_194, %broadcast_in_dim3A_258 : vector<90x90xi1>, vector<90x90xf32>
    %iota3A_260 = tpu.iota {dimensions = array<i32: 1>} : vector<8x90xi32>
    %jit3A_261 = arith.constant 3 : i32
    %eq3A_262 = arith.constant 0 : i32
    %eq3A_263 = arith.cmpi eq, %jit3A_261, %eq3A_262 : i32
    %jit3A_264 = arith.constant 1 : i32
    %select_n3A_265 = arith.select %eq3A_263, %jit3A_264, %jit3A_261 : i32
    %rem3A_266 = vector.broadcast %select_n3A_265 : i32 to vector<8x90xi32>
    %rem3A_267 = arith.remsi %iota3A_260, %rem3A_266 : vector<8x90xi32>
    %ne3A_268 = arith.constant 0 : i32
    %ne3A_269 = vector.broadcast %ne3A_268 : i32 to vector<8x90xi32>
    %ne3A_270 = arith.cmpi ne, %rem3A_267, %ne3A_269 : vector<8x90xi32>
    %lt3A_271 = arith.constant 0 : i32
    %lt3A_272 = vector.broadcast %lt3A_271 : i32 to vector<8x90xi32>
    %lt3A_273 = arith.cmpi slt, %rem3A_267, %lt3A_272 : vector<8x90xi32>
    %lt3A_274 = arith.constant 0 : i32
    %lt3A_275 = arith.cmpi slt, %select_n3A_265, %lt3A_274 : i32
    %ne3A_276 = vector.broadcast %lt3A_275 : i1 to vector<8x90xi1>
    %ne3A_277 = vector.broadcast %ne3A_276 : vector<8x90xi1> to vector<8x90xi1>
    %ne3A_278 = arith.xori %lt3A_273, %ne3A_277 : vector<8x90xi1>
    %and3A_279 = arith.andi %ne3A_278, %ne3A_270 : vector<8x90xi1>
    %add3A_280 = vector.broadcast %select_n3A_265 : i32 to vector<8x90xi32>
    %add3A_281 = arith.addi %rem3A_267, %add3A_280 : vector<8x90xi32>
    %select_n3A_282 = arith.select %and3A_279, %add3A_281, %rem3A_267 : vector<8x90xi1>, vector<8x90xi32>
    %eq3A_283 = arith.constant 0 : i32
    %eq3A_284 = vector.broadcast %eq3A_283 : i32 to vector<8x90xi32>
    %eq3A_285 = arith.cmpi eq, %select_n3A_282, %eq3A_284 : vector<8x90xi32>
    %eq3A_286 = arith.constant 1 : i32
    %eq3A_287 = vector.broadcast %eq3A_286 : i32 to vector<8x90xi32>
    %eq3A_288 = arith.cmpi eq, %select_n3A_282, %eq3A_287 : vector<8x90xi32>
    %jit3A_289 = arith.constant 5.200000e+01 : f32
    %jit3A_290 = arith.constant 2.653000e+03 : f32
    %broadcast_in_dim3A_291 = vector.broadcast %jit3A_289 : f32 to vector<8x90xf32>
    %broadcast_in_dim3A_292 = vector.broadcast %jit3A_290 : f32 to vector<8x90xf32>
    %select_n3A_293 = arith.select %eq3A_288, %broadcast_in_dim3A_291, %broadcast_in_dim3A_292 : vector<8x90xi1>, vector<8x90xf32>
    %jit3A_294 = arith.constant 1.000000e+00 : f32
    %broadcast_in_dim3A_295 = vector.broadcast %jit3A_294 : f32 to vector<8x90xf32>
    %select_n3A_296 = arith.select %eq3A_285, %broadcast_in_dim3A_295, %select_n3A_293 : vector<8x90xi1>, vector<8x90xf32>
    %get3A_297 = arith.constant 0 : index
    %get3A_298 = arith.constant 0 : index
    %get3A_299 = vector.load %arg13[%get3A_297, %get3A_298] : memref<8x90xf32, #tpu.memory_space<vmem>>, vector<8x90xf32>
    %dot_general3A_300 = arith.constant dense<0.000000e+00> : vector<8x90xf32>
    %dot_general3A_301 = tpu.matmul %get3A_299, %select_n3A_259, %dot_general3A_300 {dimension_numbers = #tpu.dot_dimension_numbers<[1], [0], [0], [1], [0, 0, 1, 1], [], []>, transpose_lhs_hint = false} : vector<8x90xf32>, vector<90x90xf32>, vector<8x90xf32> -> vector<8x90xf32>
    %add3A_302 = arith.addf %dot_general3A_301, %select_n3A_296 : vector<8x90xf32>
    %iota3A_303 = tpu.iota {dimensions = array<i32: 1>} : vector<10x90xi32>
    %jit3A_304 = arith.constant 9 : i32
    %div3A_305 = vector.broadcast %jit3A_304 : i32 to vector<10x90xi32>
    %div3A_306 = arith.divsi %iota3A_303, %div3A_305 : vector<10x90xi32>
    %sign3A_307 = arith.constant 0 : i32
    %sign3A_308 = vector.broadcast %sign3A_307 : i32 to vector<10x90xi32>
    %sign3A_309 = arith.cmpi sgt, %iota3A_303, %sign3A_308 : vector<10x90xi32>
    %sign3A_310 = arith.extui %sign3A_309 : vector<10x90xi1> to vector<10x90xi32>
    %sign3A_311 = arith.constant 0 : i32
    %sign3A_312 = vector.broadcast %sign3A_311 : i32 to vector<10x90xi32>
    %sign3A_313 = arith.cmpi slt, %iota3A_303, %sign3A_312 : vector<10x90xi32>
    %sign3A_314 = arith.extui %sign3A_313 : vector<10x90xi1> to vector<10x90xi32>
    %sign3A_315 = arith.subi %sign3A_310, %sign3A_314 : vector<10x90xi32>
    %sign3A_316 = arith.constant 0 : i32
    %sign3A_317 = arith.cmpi sgt, %jit3A_304, %sign3A_316 : i32
    %sign3A_318 = arith.extui %sign3A_317 : i1 to i32
    %sign3A_319 = arith.constant 0 : i32
    %sign3A_320 = arith.cmpi slt, %jit3A_304, %sign3A_319 : i32
    %sign3A_321 = arith.extui %sign3A_320 : i1 to i32
    %sign3A_322 = arith.subi %sign3A_318, %sign3A_321 : i32
    %ne3A_323 = vector.broadcast %sign3A_322 : i32 to vector<10x90xi32>
    %ne3A_324 = arith.cmpi ne, %sign3A_315, %ne3A_323 : vector<10x90xi32>
    %rem3A_325 = vector.broadcast %jit3A_304 : i32 to vector<10x90xi32>
    %rem3A_326 = arith.remsi %iota3A_303, %rem3A_325 : vector<10x90xi32>
    %ne3A_327 = arith.constant 0 : i32
    %ne3A_328 = vector.broadcast %ne3A_327 : i32 to vector<10x90xi32>
    %ne3A_329 = arith.cmpi ne, %rem3A_326, %ne3A_328 : vector<10x90xi32>
    %and3A_330 = arith.andi %ne3A_324, %ne3A_329 : vector<10x90xi1>
    %sub3A_331 = arith.constant 1 : i32
    %sub3A_332 = vector.broadcast %sub3A_331 : i32 to vector<10x90xi32>
    %sub3A_333 = arith.subi %div3A_306, %sub3A_332 : vector<10x90xi32>
    %select_n3A_334 = arith.select %and3A_330, %sub3A_333, %div3A_306 : vector<10x90xi1>, vector<10x90xi32>
    %iota3A_335 = tpu.iota {dimensions = array<i32: 0>} : vector<10x90xi32>
    %eq3A_336 = arith.cmpi eq, %select_n3A_334, %iota3A_335 : vector<10x90xi32>
    %jit3A_337 = arith.constant 1.000000e+00 : f32
    %jit3A_338 = arith.constant 0.000000e+00 : f32
    %broadcast_in_dim3A_339 = vector.broadcast %jit3A_337 : f32 to vector<10x90xf32>
    %broadcast_in_dim3A_340 = vector.broadcast %jit3A_338 : f32 to vector<10x90xf32>
    %select_n3A_341 = arith.select %eq3A_336, %broadcast_in_dim3A_339, %broadcast_in_dim3A_340 : vector<10x90xi1>, vector<10x90xf32>
    %get3A_342 = arith.constant 0 : index
    %get3A_343 = arith.constant 0 : index
    %get3A_344 = vector.load %arg12[%get3A_342, %get3A_343] : memref<8x10xi32, #tpu.memory_space<vmem>>, vector<8x10xi32>
    %ne3A_345 = arith.constant 0 : i32
    %ne3A_346 = vector.broadcast %ne3A_345 : i32 to vector<8x10xi32>
    %ne3A_347 = arith.cmpi ne, %get3A_344, %ne3A_346 : vector<8x10xi32>
    %jit3A_348 = arith.constant 1.000000e+00 : f32
    %jit3A_349 = arith.constant 0.000000e+00 : f32
    %broadcast_in_dim3A_350 = vector.broadcast %jit3A_348 : f32 to vector<8x10xf32>
    %broadcast_in_dim3A_351 = vector.broadcast %jit3A_349 : f32 to vector<8x10xf32>
    %select_n3A_352 = arith.select %ne3A_347, %broadcast_in_dim3A_350, %broadcast_in_dim3A_351 : vector<8x10xi1>, vector<8x10xf32>
    %dot_general3A_353 = arith.constant dense<0.000000e+00> : vector<8x90xf32>
    %dot_general3A_354 = tpu.matmul %select_n3A_352, %select_n3A_341, %dot_general3A_353 {dimension_numbers = #tpu.dot_dimension_numbers<[1], [0], [0], [1], [0, 0, 1, 1], [], []>, transpose_lhs_hint = false} : vector<8x10xf32>, vector<10x90xf32>, vector<8x90xf32> -> vector<8x90xf32>
    %gt3A = arith.constant 5.000000e-01 : f32
    %gt3A_355 = vector.broadcast %gt3A : f32 to vector<8x90xf32>
    %gt3A_356 = arith.cmpf ogt, %dot_general3A_354, %gt3A_355 : vector<8x90xf32>
    %iota3A_357 = tpu.iota {dimensions = array<i32: 2>} : vector<8x90x90xi32>
    %broadcast_in_dim3A_358 = vector.shape_cast %add3A_302 : vector<8x90xf32> to vector<8x90x1xf32>
    %broadcast_in_dim3A_359 = vector.shape_cast %add3A_302 : vector<8x90xf32> to vector<8x1x90xf32>
    %eq3A_360 = vector.broadcast %broadcast_in_dim3A_358 : vector<8x90x1xf32> to vector<8x90x90xf32>
    %eq3A_361 = vector.broadcast %broadcast_in_dim3A_359 : vector<8x1x90xf32> to vector<8x90x90xf32>
    %eq3A_362 = arith.cmpf oeq, %eq3A_360, %eq3A_361 : vector<8x90x90xf32>
    %broadcast_in_dim3A_363 = vector.shape_cast %gt3A_356 : vector<8x90xi1> to vector<8x1x90xi1>
    %and3A_364 = vector.broadcast %broadcast_in_dim3A_363 : vector<8x1x90xi1> to vector<8x90x90xi1>
    %and3A_365 = arith.andi %eq3A_362, %and3A_364 : vector<8x90x90xi1>
    %jit3A_366 = arith.constant 90 : i32
    %broadcast_in_dim3A_367 = vector.broadcast %jit3A_366 : i32 to vector<8x90x90xi32>
    %select_n3A_368 = arith.select %and3A_365, %iota3A_357, %broadcast_in_dim3A_367 : vector<8x90x90xi1>, vector<8x90x90xi32>
    %reduce_min3A = arith.constant dense<2147483647> : vector<8x90xi32>
    %reduce_min3A_369 = vector.multi_reduction <minsi>, %select_n3A_368, %reduce_min3A [2] : vector<8x90x90xi32> to vector<8x90xi32>
    %iota3A_370 = tpu.iota {dimensions = array<i32: 1>} : vector<8x90xi32>
    %eq3A_371 = arith.cmpi eq, %reduce_min3A_369, %iota3A_370 : vector<8x90xi32>
    %and3A_372 = arith.andi %gt3A_356, %eq3A_371 : vector<8x90xi1>
    %jit3A_373 = arith.constant 1 : i32
    %jit3A_374 = arith.constant 0 : i32
    %broadcast_in_dim3A_375 = vector.broadcast %jit3A_373 : i32 to vector<8x90xi32>
    %broadcast_in_dim3A_376 = vector.broadcast %jit3A_374 : i32 to vector<8x90xi32>
    %select_n3A_377 = arith.select %and3A_372, %broadcast_in_dim3A_375, %broadcast_in_dim3A_376 : vector<8x90xi1>, vector<8x90xi32>
    %reduce_sum3A = arith.constant dense<0> : vector<8xi32>
    %reduce_sum3A_378 = vector.multi_reduction <add>, %select_n3A_377, %reduce_sum3A [1] : vector<8x90xi32> to vector<8xi32>
    %broadcast_in_dim3A_379 = vector.shape_cast %and3A_372 : vector<8x90xi1> to vector<8x1x90xi1>
    %broadcast_in_dim3A_380 = vector.shape_cast %reduce_min3A_369 : vector<8x90xi32> to vector<8x90x1xi32>
    %le3A_381 = vector.broadcast %broadcast_in_dim3A_380 : vector<8x90x1xi32> to vector<8x90x90xi32>
    %le3A_382 = arith.cmpi sle, %iota3A_357, %le3A_381 : vector<8x90x90xi32>
    %and3A_383 = vector.broadcast %broadcast_in_dim3A_379 : vector<8x1x90xi1> to vector<8x90x90xi1>
    %and3A_384 = arith.andi %and3A_383, %le3A_382 : vector<8x90x90xi1>
    %jit3A_385 = arith.constant 1 : i32
    %jit3A_386 = arith.constant 0 : i32
    %broadcast_in_dim3A_387 = vector.broadcast %jit3A_385 : i32 to vector<8x90x90xi32>
    %broadcast_in_dim3A_388 = vector.broadcast %jit3A_386 : i32 to vector<8x90x90xi32>
    %select_n3A_389 = arith.select %and3A_384, %broadcast_in_dim3A_387, %broadcast_in_dim3A_388 : vector<8x90x90xi1>, vector<8x90x90xi32>
    %reduce_sum3A_390 = arith.constant dense<0> : vector<8x90xi32>
    %reduce_sum3A_391 = vector.multi_reduction <add>, %select_n3A_389, %reduce_sum3A_390 [2] : vector<8x90x90xi32> to vector<8x90xi32>
    %sub3A_392 = arith.constant 1 : i32
    %sub3A_393 = vector.broadcast %sub3A_392 : i32 to vector<8x90xi32>
    %sub3A_394 = arith.subi %reduce_sum3A_391, %sub3A_393 : vector<8x90xi32>
    %add3A_395 = arith.constant 2 : i32
    %add3A_396 = vector.broadcast %add3A_395 : i32 to vector<8x90xi32>
    %add3A_397 = arith.addi %sub3A_394, %add3A_396 : vector<8x90xi32>
    %jit3A_398 = arith.constant 92 : i32
    %broadcast_in_dim3A_399 = vector.broadcast %jit3A_398 : i32 to vector<8x90xi32>
    %select_n3A_400 = arith.select %gt3A_356, %add3A_397, %broadcast_in_dim3A_399 : vector<8x90xi1>, vector<8x90xi32>
    %broadcast_in_dim3A_401 = vector.shape_cast %select_n3A_400 : vector<8x90xi32> to vector<8x90x1xi32>
    %broadcast_in_dim3A_402 = vector.shape_cast %broadcast_in_dim3A_401 : vector<8x90x1xi32> to vector<8x90x1xi32>
    %broadcast_in_dim3A_403 = vector.broadcast %broadcast_in_dim3A_402 : vector<8x90x1xi32> to vector<8x90x16xi32>
    %swap3A_404 = arith.constant 0 : index
    %swap3A_405 = arith.constant 0 : index
    %swap3A_406 = arith.constant 0 : index
    %swap3A_407 = vector.load %arg22[%swap3A_404, %swap3A_405, %swap3A_406] : memref<8x90x16xi32, #tpu.memory_space<vmem>>, vector<8x90x16xi32>
    tpu.vector_store %arg22[%swap3A_404, %swap3A_405, %swap3A_406], %broadcast_in_dim3A_403 {strides = array<i32>} : memref<8x90x16xi32, #tpu.memory_space<vmem>>, vector<8x90x16xi32>,
    tpu.enqueue_dma source(%arg22 : memref<8x90x16xi32, #tpu.memory_space<vmem>>) target(%arg18 : memref<8x90x16xi32, #tpu.memory_space<hbm>>) target_semaphore(%arg24 : memref<!tpu.dma_semaphore, #tpu.memory_space<semaphore_mem>>)
    %broadcast_in_dim3A_408 = vector.shape_cast %reduce_sum3A_378 : vector<8xi32> to vector<8x1xi32>
    %lt3A_409 = vector.broadcast %broadcast_in_dim3A_408 : vector<8x1xi32> to vector<8x90xi32>
    %lt3A_410 = arith.cmpi slt, %iota3A_370, %lt3A_409 : vector<8x90xi32>
    %jit3A_411 = arith.constant 1.000000e+00 : f32
    %jit3A_412 = arith.constant 0.000000e+00 : f32
    %broadcast_in_dim3A_413 = vector.broadcast %jit3A_411 : f32 to vector<8x90xf32>
    %broadcast_in_dim3A_414 = vector.broadcast %jit3A_412 : f32 to vector<8x90xf32>
    %select_n3A_415 = arith.select %lt3A_410, %broadcast_in_dim3A_413, %broadcast_in_dim3A_414 : vector<8x90xi1>, vector<8x90xf32>
    %get3A_416 = arith.constant 0 : index
    %get3A_417 = vector.load %arg14[%get3A_416] : memref<256xf32, #tpu.memory_space<vmem>>, vector<256xf32>
    %broadcast_in_dim3A_418 = vector.shape_cast %get3A_417 : vector<256xf32> to vector<1x1x256xf32>
    %broadcast_in_dim3A_419 = vector.shape_cast %broadcast_in_dim3A_418 : vector<1x1x256xf32> to vector<1x1x256xf32>
    %broadcast_in_dim3A_420 = vector.broadcast %broadcast_in_dim3A_419 : vector<1x1x256xf32> to vector<8x1x256xf32>
    %broadcast_in_dim3A_421 = vector.shape_cast %select_n3A_415 : vector<8x90xf32> to vector<8x90x1xf32>
    %get3A_422 = arith.constant 0 : index
    %get3A_423 = vector.load %arg15[%get3A_422] : memref<256xf32, #tpu.memory_space<vmem>>, vector<256xf32>
    %broadcast_in_dim3A_424 = vector.shape_cast %get3A_423 : vector<256xf32> to vector<1x1x256xf32>
    %mul3A_425 = vector.broadcast %broadcast_in_dim3A_421 : vector<8x90x1xf32> to vector<8x90x256xf32>
    %mul3A_426 = vector.broadcast %broadcast_in_dim3A_424 : vector<1x1x256xf32> to vector<8x90x256xf32>
    %mul3A_427 = arith.mulf %mul3A_425, %mul3A_426 : vector<8x90x256xf32>
    %broadcast_in_dim3A_428 = vector.shape_cast %add3A_142 : vector<8x256xf32> to vector<8x1x256xf32>
    %concatenate3A = tpu.concatenate %broadcast_in_dim3A_420, %broadcast_in_dim3A_428, %mul3A_427 in 1 : vector<8x1x256xf32>, vector<8x1x256xf32>, vector<8x90x256xf32> -> vector<8x92x256xf32>
    %swap3A_429 = arith.constant 0 : index
    %swap3A_430 = arith.constant 0 : index
    %swap3A_431 = arith.constant 0 : index
    %swap3A_432 = vector.load %arg23[%swap3A_429, %swap3A_430, %swap3A_431] : memref<8x92x256xf32, #tpu.memory_space<vmem>>, vector<8x92x256xf32>
    tpu.vector_store %arg23[%swap3A_429, %swap3A_430, %swap3A_431], %concatenate3A {strides = array<i32>} : memref<8x92x256xf32, #tpu.memory_space<vmem>>, vector<8x92x256xf32>,
    tpu.enqueue_dma source(%arg23 : memref<8x92x256xf32, #tpu.memory_space<vmem>>) target(%arg19 : memref<8x92x256xf32, #tpu.memory_space<hbm>>) target_semaphore(%arg24 : memref<!tpu.dma_semaphore, #tpu.memory_space<semaphore_mem>>)
    tpu.wait_dma2 semaphore(%arg24 : memref<!tpu.dma_semaphore, #tpu.memory_space<semaphore_mem>>) src(%arg20 : memref<8x90x256xf32, #tpu.memory_space<vmem>>) dst(%arg16 : memref<8x90x256xf32, #tpu.memory_space<hbm>>)
    tpu.wait_dma2 semaphore(%arg24 : memref<!tpu.dma_semaphore, #tpu.memory_space<semaphore_mem>>) src(%arg21 : memref<8x90x256xf32, #tpu.memory_space<vmem>>) dst(%arg17 : memref<8x90x256xf32, #tpu.memory_space<hbm>>)
    tpu.wait_dma2 semaphore(%arg24 : memref<!tpu.dma_semaphore, #tpu.memory_space<semaphore_mem>>) src(%arg22 : memref<8x90x16xi32, #tpu.memory_space<vmem>>) dst(%arg18 : memref<8x90x16xi32, #tpu.memory_space<hbm>>)
    tpu.wait_dma2 semaphore(%arg24 : memref<!tpu.dma_semaphore, #tpu.memory_space<semaphore_mem>>) src(%arg23 : memref<8x92x256xf32, #tpu.memory_space<vmem>>) dst(%arg19 : memref<8x92x256xf32, #tpu.memory_space<hbm>>)
    return
  }
}

</mosaic_0001>

<sc_bundles>
// kernel: kernel.4.cloned.1.call-start
scs
__scs_entry_jumppad:
0x0: {  	(pc) =	sbr.rel $0x88, $3  }
0x1: {  	(tag) =	ssettag $0x0;
	lr =	simm.s32 $0x1  }
0x2: {  	[smem:$0x3F91] =	sst lr;
	_ =	strace $0xD0000000  }
0x3: {  	_ = 	snop  }
0x4: {  	_ = 	snop  }
0x5: {  	_ = 	snop  }
0x6: {  	_ = 	snop  }
0x7: {  	_ = 	snop  }
__scs_overlays_trampoline_lowered:
0x8: {  	[smem:$0x3FA0] =	sst s0  }
0x9: {  	[smem:$0x3FA1] =	sst s1  }
0xa: {  	[smem:$0x3FA2] =	sst s2  }
0xb: {  	[smem:$0x3FA3] =	sst s3  }
0xc: {  	[smem:$0x3FA4] =	sst s4  }
0xd: {  	[smem:$0x3FA5] =	sst s5  }
0xe: {  	[smem:$0x3FA6] =	sst s6  }
0xf: {  	[smem:$0x3FA7] =	sst s7  }
0x10: {  	[smem:$0x3FA8] =	sst s8  }
0x11: {  	[smem:$0x3FA9] =	sst s9;
	s0 =	simm.s32 @!p0 $0x0  }
0x12: {  	s1 =	sld [smem:$0x3F8F];
	s0 =	simm.s32 @p0 $0x1  }
0x13: {  	[smem:$0x3FAA] =	sst s0;
	s0 =	simm.s32 @!p1 $0x0  }
0x14: {  	s2 =	sld [smem:$0x3F8E];
	s0 =	simm.s32 @p1 $0x1  }
0x15: {  	[smem:$0x3FAB] =	sst s0;
	s0 =	simm.s32 @!p2 $0x0  }
0x16: {  	s3 =	sld [smem:$0x3FDB];
	s0 =	simm.s32 @p2 $0x1  }
0x17: {  	s4 =	simm.s32 $0x1BF5;
	[smem:$0x3FAD] =	sst s0  }
0x18: {  	s0 =	sld [smem:$0x3F90];
	_ =	swait.ge [sflag:s4], $0x0  }
0x19: {  	s7 =	sld [smem:$0x3F91]  }
0x1a: {  	s8 =	sadd.s32 $0xFFFFE003, lr  }
0x1b: {  	s9 =	sadd.s32 $0xFFFFFEF7, lr;
	s5 =	simm.s32 $0xFFFFFFFF;
	p2 =	slt.u32 s8, $0xFFFFF086  }
0x1c: {  	p1 =	slt.u32 s9, $0xF7A;
	s5 =	simm.s32 @!p2 $0x0  }
0x1d: {  	s5 =	simm.s32 @p1 $0x1;
	p0 =	seq.s32 s7, s2  }
0x1e: {  	s7 =	smul.u32 @!p0 $0xF7A, s2;
	p2 =	seq.s32 @!p0 s5, $0x0  }
0x1f: {  	s9 =	smul.u32 $0xF7A, s1;
	s8 =	simm.s32 @!p0 $0x1BF5;
	p2 =	por !p2, p0  }
0x20: {  	[sflag:s8] =	ssyncset.s32 @!p0 $0xFFFFF086;
	s6 =	sadd.s32 @!p0 s3, s7;
	s7 =	simm.s32 @!p0 $0x108  }
0x21: {  	s3 =	sadd.s32 s3, s9;
	s6 =	sadd.s32 @!p0 $0x88, s6;
	s7 =	simm.s32 @p2 $0x1082  }
0x22: {  	[simem:s7], [sflag:s8] =	dma.local @!p0 [hbm:s6], $0xF7A  }
0x23: {  	s9 =	sor.u32 $0xD0000000, s2;
	s6 =	simm.s32 $0x108;
	_ =	swait.ge @!p0 [sflag:s8], $0x0  }
0x24: {  	s3 =	sadd.s32 $0x88, s3;
	s6 =	simm.s32 @!p1 $0x1082;
	[sflag:s4] =	ssyncset.s32 $0xFFFFF086  }
0x25: {  	[simem:s6], [sflag:s4] =	dma.local [hbm:s3], $0xF7A  }
0x26: {  	[smem:$0x3F91] =	sst s1;
	(tag) =	ssettag s2;
	_ =	strace s9  }
0x27: {  	s1 =	sld [smem:$0x3FA1]  }
0x28: {  	s2 =	sld [smem:$0x3FA2]  }
0x29: {  	s4 =	sld [smem:$0x3FA4]  }
0x2a: {  	p0 =	seq.s32 s5, $0x0;
	s5 =	sld [smem:$0x3FA5]  }
0x2b: {  	s6 =	sld [smem:$0x3FA6]  }
0x2c: {  	s7 =	sld [smem:$0x3FA7]  }
0x2d: {  	s3 =	simm.s32 $0x108;
	s8 =	sld [smem:$0x3FA8]  }
0x2e: {  	s3 =	simm.s32 @!p0 $0x1082;
	s9 =	sld [smem:$0x3FA9]  }
0x2f: {  	lr =	sadd.s32 s0, s3;
	s0 =	sld [smem:$0x3FA0]  }
0x30: {  	s3 =	sld [smem:$0x3FA3]  }
0x31: {  	[smem:$0x3FAC] =	sst s10  }
0x32: {  	s10 =	sld [smem:$0x3FAA];
	_ =	sdelay $0x3  }
0x33: {  	p0 =	seq.s32 s10, $0x1;
	s10 =	sld [smem:$0x3FAC];
	_ =	sdelay $0x3  }
0x34: {  	[smem:$0x3FAC] =	sst s10  }
0x35: {  	s10 =	sld [smem:$0x3FAB];
	_ =	sdelay $0x3  }
0x36: {  	p1 =	seq.s32 s10, $0x1;
	s10 =	sld [smem:$0x3FAC];
	_ =	sdelay $0x3  }
0x37: {  	[smem:$0x3FAC] =	sst s10  }
0x38: {  	s10 =	sld [smem:$0x3FAD]  }
0x39: {  	_ = 	snop;
	(pc) =	sbr.ind lr, $3  }
0x3a: {  	_ = 	snop  }
0x3b: {  	_ = 	snop  }
0x3c: {  	p2 =	seq.s32 s10, $0x1;
	s10 =	sld [smem:$0x3FAC]  }
0x3d: {  	_ =	shalt  }
0x3e: {  	_ =	shalt  }
0x3f: {  	_ =	shalt  }
0x40: {  	_ =	shalt  }
0x41: {  	_ =	shalt  }
0x42: {  	_ =	shalt  }
0x43: {  	_ =	shalt  }
0x44: {  	_ =	shalt  }
0x45: {  	_ =	shalt  }
0x46: {  	_ =	shalt  }
0x47: {  	_ =	shalt  }
0x48: {  	_ =	shalt  }
0x49: {  	_ =	shalt  }
0x4a: {  	_ =	shalt  }
0x4b: {  	_ =	shalt  }
0x4c: {  	_ =	shalt  }
0x4d: {  	_ =	shalt  }
0x4e: {  	_ =	shalt  }
0x4f: {  	_ =	shalt  }
0x50: {  	_ =	shalt  }
0x51: {  	_ =	shalt  }
0x52: {  	_ =	shalt  }
0x53: {  	_ =	shalt  }
0x54: {  	_ =	shalt  }
0x55: {  	_ =	shalt  }
0x56: {  	_ =	shalt  }
0x57: {  	_ =	shalt  }
0x58: {  	_ =	shalt  }
0x59: {  	_ =	shalt  }
0x5a: {  	_ =	shalt  }
0x5b: {  	_ =	shalt  }
0x5c: {  	_ =	shalt  }
0x5d: {  	_ =	shalt  }
0x5e: {  	_ =	shalt  }
0x5f: {  	_ =	shalt  }
0x60: {  	_ =	shalt  }
0x61: {  	_ =	shalt  }
0x62: {  	_ =	shalt  }
0x63: {  	_ =	shalt  }
0x64: {  	_ =	shalt  }
0x65: {  	_ =	shalt  }
0x66: {  	_ =	shalt  }
0x67: {  	_ =	shalt  }
0x68: {  	_ =	shalt  }
0x69: {  	_ =	shalt  }
0x6a: {  	_ =	shalt  }
0x6b: {  	_ =	shalt  }
0x6c: {  	_ =	shalt  }
0x6d: {  	_ =	shalt  }
0x6e: {  	_ =	shalt  }
0x6f: {  	_ =	shalt  }
0x70: {  	_ =	shalt  }
0x71: {  	_ =	shalt  }
0x72: {  	_ =	shalt  }
0x73: {  	_ =	shalt  }
0x74: {  	_ =	shalt  }
0x75: {  	_ =	shalt  }
0x76: {  	_ =	shalt  }
0x77: {  	_ =	shalt  }
0x78: {  	_ =	shalt  }
0x79: {  	_ =	shalt  }
0x7a: {  	_ =	shalt  }
0x7b: {  	_ =	shalt  }
0x7c: {  	_ =	shalt  }
0x7d: {  	_ =	shalt  }
0x7e: {  	_ =	shalt  }
0x7f: {  	_ =	shalt  }
0x80: {  	_ =	shalt  }
0x81: {  	_ =	shalt  }
0x82: {  	_ =	shalt  }
0x83: {  	_ =	shalt  }
0x84: {  	_ =	shalt  }
0x85: {  	_ =	shalt  }
0x86: {  	_ =	shalt  }
0x87: {  	_ =	shalt  }
.Lfunc_end0:
.L_simem_size_0:
called_computation_lowered:
.L_overlay_start_0:
0x88: {  	s2 =	sld [smem:$0x3FD9]  }
0x89: {  	s3 =	sld [smem:$0x3FFE];
	_ =	sdelay $0x1  }
0x8a: {  	s1 =	srdreg.scid  }
0x8b: {  	s0 =	sand.u32 $0x1, s1  }
0x8c: {  	s17 =	sshll.u32 s0, $0xA;
	s2 =	sadd.s32 s3, s2  }
0x8d: {  	s2 =	sadd.s32 s2, s17  }
0x8e: {  	[smem:$0x3FB8] =	sst s2  }
0x8f: {  	_ = 	snop  }
0x90: {  	s2 =	sld [smem:$0x3FD0];
	(tm) =	ssettm $0x1  }
0x91: {  	s18 =	sld [smem:$0x3FFB];
	_ =	sdelay $0x3  }
0x92: {  	_ =	strace s18  }
0x93: {  	s3 =	sld [smem:$0x3FFC];
	_ =	sdelay $0x3  }
0x94: {  	_ =	strace s3  }
0x95: {  	s3 =	sld [smem:$0x3FFD];
	_ =	sdelay $0x3  }
0x96: {  	_ =	strace s3  }
0x97: {  	_ =	strace $0x8FFFFFFF  }
0x98: {  	s19 =	sld [smem:$0x3FDB];
	_ =	sdelay $0x1  }
0x99: {  	s4 =	simm.s32 $_scs_section_size  }
0x9a: {  	s5 =	simm.s32 $_size__tile_overlayer_lowered;
	s6 =	simm.s32 $_tile_overlayer_lowered  }
0x9b: {  	s22 =	simm.s32 $0x1BFF;
	s21 =	sshll.u32 s6, $0x1;
	s3 =	sadd.s32 s4, s19  }
0x9c: {  	s7 =	simm.s32 $0x0;
	s20 =	sshll.u32 s5, $0x1;
	s5 =	sadd.s32 s21, s3  }
0x9d: {  	[timem:s7], [sflag:s22] =	dma.local [hbm:s5], s20  }
0x9e: {  	_ =	swait.ge [sflag:s22], s20  }
0x9f: {  	s4 =	ssub.s32 $0x0, s20;
	[sflag:s22] =	ssyncset.done $0x0  }
0xa0: {  	[sflag:s22] =	ssyncadd.s32 s4;
	_ =	sdelay $0x1  }
0xa1: {  	s23 =	simm.s32 $0x1B8B  }
0xa2: {  	_ =	swait.ge [sflag:s23], $0x1  }
0xa3: {  	[sflag:s23] =	ssyncset.done $0x0  }
0xa4: {  	s25 =	simm.s32 $0x1B8E;
	s24 =	sld [smem:$0x3FFE];
	[sflag:s23] =	ssyncadd.s32 $0xFFFFFFFF  }
0xa5: {  	s26 =	simm.s32 $execute0_lowered;
	[smem:$0x3FD2] =	sst s25  }
0xa6: {  	s5 =	sshll.u32 s26, $0x1;
	_ =	strace $0x80000046;
	[dreg:$0x1] =	wrdreg $0xFFFFFFFF  }
0xa7: {  	s28 =	simm.s32 $_size_execute0_lowered;
	s3 =	sadd.s32 s3, s5;
	[dreg:$0x0] =	wrdreg $0x0  }
0xa8: {  	s5 =	sshll.u32 s28, $0x1;
	[dreg:$0x2] =	wrdreg s3  }
0xa9: {  	[dreg:$0x3] =	wrdreg s5  }
0xaa: {  	[dreg:$0x4] =	wrdreg $0xC0  }
0xab: {  	_ =	task [dreg:s7], $0x5FFFF  }
0xac: {  	[dreg:$0x1] =	wrdreg $0xFFFFFFFF  }
0xad: {  	[dreg:$0x0] =	wrdreg $0x60  }
0xae: {  	[dreg:$0x2] =	wrdreg s24  }
0xaf: {  	[dreg:$0x3] =	wrdreg s2  }
0xb0: {  	[dreg:$0x4] =	wrdreg $0x9  }
0xb1: {  	_ =	task.clear_ibuf [dreg:s7], $0x5FFFF;
	_ =	strace $0x90000046  }
0xb2: {  	s29 =	simm.s32 $0x9;
	_ =	strace $0x80000048  }
0xb3: {  	_ =	swait.ge [sflag:s29], $0x1  }
0xb4: {  	[sflag:s29] =	ssyncadd.s32 $0xFFFFFFFF  }
0xb5: {  	_ =	strace $0x90000048  }
0xb6: {  	_ =	sfence  }
0xb7: {  	s30 =	sld [smem:$0x0];
	_ =	sdelay $0x2  }
0xb8: {  	s31 =	sshll.u32 s1, $0xD;
	s1 =	sshrl.u32 s1, $0x2  }
0xb9: {  	s3 =	sand.u32 $0x4000, s31;
	s1 =	sadd.s32 s1, s30  }
0xba: {  	s0 =	sor.u32 s3, s0;
	s1 =	sshll.u32 s1, $0x11  }
0xbb: {  	s0 =	sor.u32 s1, s0  }
0xbc: {  	s0 =	sadd.s32 $0x8F2B, s0  }
0xbd: {  	[sflag:s0] =	ssyncadd.remote.s32 $0x1  }
0xbe: {  	_ =	sfence.sel $0xFFFF  }
0xbf: {  	[dreg:$0x0] =	wrdreg $0xFFFFFFFF;
	(pc) =	sbr.abs _section_cstart, $3  }
0xc0: {  	[dreg:$0x1] =	wrdreg $0xFFFFFFFF  }
0xc1: {  	_ =	task.clear_ibuf [dreg:s7], $0x2FFFF;
	_ =	strace $0x9FFFFFFF  }
0xc2: {  	(tm) =	ssettm $0x7FFFFFFF  }
0xc3: {  	_ =	shalt  }
tec
execute0_lowered:
.L_overlay_start_1:
0x0: {  	(tag) =	ssettag $0x1  }
0x1: {  	s0 =	stileid.u32  }
0x2: {  	p0 =	sgt.u32 s0, $0x7  }
.Ltmp0:
0x3: {  	_ = 	snop;
	(pc) =	sbr.rel @p0 .LBB2_5-.Ltmp0, $4  }
0x4: {  	_ = 	snop  }
0x5: {  	s3 =	rddreg [dreg:$0x0];
	s2 =	simm.s32 $0x0  }
0x6: {  	[smem:$0x7FF] =	sst s2  }
0x7: {  	s6 =	rddreg [dreg:$0x1];
	_ =	strace $0x80000047  }
0x8: {  	s4 =	srdreg.scid  }
0x9: {  	s0 =	stileid.u32;
	s4 =	sand.u32 $0x1, s4  }
0xa: {  	s9 =	sadd.s32 $0x2800, s3;
	s29 =	sadd.s32 $0x8800, s3;
	s5 =	sor.u32 s4, s0  }
0xb: {  	s10 =	sadd.s32 $0xE800, s3;
	p1 =	seq.s32 s4, $0x1;
	p0 =	seq.s32 s5, $0x0  }
0xc: {  	s14 =	simm.s32 $0x800;
	s15 =	simm.s32 $0x2C00;
	p0 =	por !p0, !p1  }
0xd: {  	s16 =	simm.s32 $0x3000;
	s5 =	simm.s32 $0x1;
	p0 =	por !p0, !p0  }
0xe: {  	s17 =	simm.s32 $0x5C00;
	s18 =	simm.s32 $0x6000;
	s5 =	simm.s32 @!p0 $0x0  }
0xf: {  	s19 =	simm.s32 $0x9000;
	s20 =	simm.s32 $0xBC00;
	s5 =	ssub.s32 s0, s5  }
0x10: {  	s22 =	simm.s32 $0x2;
	s12 =	ssub.s32 $0x2, s4;
	s7 =	smul.u32 $0x6000, s5  }
0x11: {  	s8 =	sshll.u32 s4, $0xA;
	s30 =	sshrl.u32 s12, $0x1;
	s13 =	smul.u32 $0x3000, s5  }
0x12: {  	s23 =	simm.s32 $0x0;
	s12 =	ssub.s32 s12, s30;
	s7 =	sor.u32 s8, s7  }
0x13: {  	s12 =	smax.u32 s12, $0x1;
	s31 =	sshrl.u32 s13, $0x3;
	s11 =	sshrl.u32 s7, $0x3  }
0x14: {  	v0 =	vlaneseq.u32;
	s13 =	simm.s32 $0x400;
	s6 =	sadd.s32 s6, s31;
	s7 =	sadd.s32 s11, s3  }
0x15: {  	v1 =	vimm.f32 $0.0e+00;
	v2 =	vor.u32 $0x10, v0;
	s3 =	simm.s32 $0x1;
	s5 =	sadd.s32 s10, s11;
	s8 =	sadd.s32 s9, s11  }
0x16: {  	v3 =	vor.u32 $0x20, v0;
	v4 =	vor.u32 $0x30, v0;
	v5 =	vor.u32 $0x40, v0;
	s4 =	sadd.s32 $0x14800, s7;
	s7 =	sadd.s32 s29, s11;
	s9 =	sadd.s32 $0xB00, s8  }
0x17: {  	v6 =	vor.u32 $0x50, v0;
	v7 =	vor.u32 $0x60, v0;
	v8 =	vor.u32 $0x70, v0;
	s11 =	sadd.s32 $0xB00, s5;
	s10 =	sadd.s32 $0xB00, s7;
	s21 =	sadd.s32 $0xB00, s4  }
.LBB2_2:
0x18: {  	[tilespmem:s2], [sflag:$0x1] =	stream.strided.gather [hbm4b:s8+s13], $0x2C00, s14, s13, $0x38;
	[tilespmem:$0xC000] =	vst v63  }
0x19: {  	_ = 	snop  }
0x1a: {  	[tilespmem:s15], [sflag:$0x1] =	stream.linear.gather [hbm4b:s9+s2], $0x100, $0x38;
	[tilespmem:$0xC000] =	vst v63  }
0x1b: {  	_ = 	snop  }
0x1c: {  	[tilespmem:s16], [sflag:$0x1] =	stream.strided.gather [hbm4b:s7+s13], $0x2C00, s14, s13, $0x38;
	[tilespmem:$0xC000] =	vst v63  }
0x1d: {  	_ = 	snop  }
0x1e: {  	[tilespmem:s17], [sflag:$0x1] =	stream.linear.gather [hbm4b:s10+s2], $0x100, $0x38;
	[tilespmem:$0xC000] =	vst v63  }
0x1f: {  	_ = 	snop  }
0x20: {  	[tilespmem:s18], [sflag:$0x1] =	stream.linear.gather [hbm4b:s6+s2], $0x2D00, $0x38;
	[tilespmem:$0xC000] =	vst v63  }
0x21: {  	_ = 	snop  }
0x22: {  	[tilespmem:s19], [sflag:$0x1] =	stream.strided.gather [hbm4b:s5+s13], $0x2C00, s14, s13, $0x38;
	[tilespmem:$0xC000] =	vst v63  }
0x23: {  	_ = 	snop  }
0x24: {  	[tilespmem:s20], [sflag:$0x1] =	stream.linear.gather [hbm4b:s11+s2], $0x200, $0x38;
	[tilespmem:$0xC000] =	vst v63  }
0x25: {  	_ =	swait.ge [sflag:s3], $0x2D00  }
0x26: {  	[sflag:s3] =	ssyncset.done $0x0  }
0x27: {  	[sflag:s3] =	ssyncadd.s32 $0xFFFFD300  }
0x28: {  	_ =	swait.ge [sflag:s3], $0x2D00  }
0x29: {  	[sflag:s3] =	ssyncset.done $0x0  }
0x2a: {  	[sflag:s3] =	ssyncadd.s32 $0xFFFFD300  }
0x2b: {  	_ =	swait.ge [sflag:s3], $0x2D00  }
0x2c: {  	s24 =	simm.s32 $0xFFFFFFFE;
	[sflag:s3] =	ssyncset.done $0x0  }
0x2d: {  	s25 =	smul.u32 $0xAB, s24;
	[sflag:s3] =	ssyncadd.s32 $0xFFFFD300  }
0x2e: {  	_ =	swait.ge [sflag:s3], $0x2E00  }
0x2f: {  	s24 =	sadd.s32 $0x156, s25;
	[sflag:s3] =	ssyncset.done $0x0  }
0x30: {  	s24 =	sshrl.u32 s24, $0x9;
	[sflag:s3] =	ssyncadd.s32 $0xFFFFD200  }
0x31: {  	s26 =	smul.u32 $0x3, s24;
	[tilespmem:$0xBE00] =	vst v1  }
0x32: {  	[tilespmem:$0xBE10] =	vst v1  }
0x33: {  	s26 =	ssub.s32 $0x0, s26;
	[tilespmem:$0xBE20] =	vst v1  }
0x34: {  	s26 =	smul.u32 $0x1E, s26;
	[tilespmem:$0xBE30] =	vst v1  }
0x35: {  	s24 =	sand.u32 $0x7F, s24;
	[tilespmem:$0xBE40] =	vst v1  }
0x36: {  	s24 =	sadd.s32 s24, s26;
	[tilespmem:$0xBE50] =	vst v1  }
0x37: {  	s24 =	sand.u32 $0xFF, s24;
	[tilespmem:$0xBE60] =	vst v1  }
0x38: {  	s29 =	sshll.u32 s24, $0x7;
	[tilespmem:$0xBE70] =	vst v1  }
0x39: {  	v11 =	vld [tilespmem:s29+$0x3040]  }
0x3a: {  	v9 =	vld [tilespmem:s29+$0x30]  }
0x3b: {  	v16 =	vld [tilespmem:s29+$0x20]  }
0x3c: {  	s24 =	simm.s32 $0x6080;
	v10 =	vld [tilespmem:s29+$0x3010]  }
0x3d: {  	v13 =	vld [tilespmem:s24+$0xFFFFFF80]  }
0x3e: {  	v12 =	vld [tilespmem:s29+$0x60]  }
0x3f: {  	v26 =	vld [tilespmem:s29+$0x50]  }
0x40: {  	v17 =	vld [tilespmem:s29+$0x3020]  }
0x41: {  	v18 =	vld [tilespmem:s29+$0x3070]  }
0x42: {  	s25 =	sadd.s32 $0x201, s25;
	v14 =	vld [tilespmem:s29+$0x0];
	v24 =	vshll.u32 v13, $0x7  }
0x43: {  	s25 =	sshrl.u32 s25, $0x9;
	v28 =	vld [tilespmem:s29+$0x3050];
	v21 =	vor.u32 v6, v24  }
0x44: {  	s31 =	smul.u32 $0x3, s25;
	v27 =	vld [tilespmem:s29+$0x10];
	v22 =	vor.u32 v5, v24  }
0x45: {  	v29 =	vld [tilespmem:s29+$0x70];
	v20 =	vor.u32 v8, v24  }
0x46: {  	s26 =	ssub.s32 $0xFFFFFFFE, s31;
	v30 =	vld [tilespmem:s29+$0x40];
	v19 =	vor.u32 v3, v24  }
0x47: {  	s26 =	smul.u32 $0x1E, s26;
	v13 =	vld [tilespmem:s29+$0x3000];
	v25 =	vor.u32 v2, v24  }
0x48: {  	s25 =	sand.u32 $0x7F, s25;
	v23 =	vor.u32 v7, v24;
	v32 =	vld.idx.msk [tilespmem:v21+s19+$0x0], $0xffff  }
0x49: {  	s25 =	sadd.s32 s25, s26;
	v15 =	vor.u32 v0, v24;
	v24 =	vor.u32 v4, v24;
	v33 =	vld.idx.msk [tilespmem:v22+s19+$0x0], $0xffff  }
0x4a: {  	s25 =	sadd.s32 $0x5A, s25;
	v31 =	vld.idx.msk [tilespmem:v20+s19+$0x0], $0xffff  }
0x4b: {  	s26 =	simm.s32 $0x0;
	s28 =	sand.u32 $0xFF, s25;
	s25 =	simm.s32 $0x6080;
	v34 =	vld.idx.msk [tilespmem:v19+s19+$0x0], $0xffff  }
.LBB2_3:
0x4c: {  	v35 =	vld.idx.msk [tilespmem:v25+s19+$0x0], $0xffff;
	s24 =	sadd.s32 $0x100, s24;
	s30 =	smov.u32 s26;
	s26 =	sadd.s32 $0x2, s26  }
0x4d: {  	p0 =	slt.u32 s26, $0x58;
	v36 =	vld.idx.msk [tilespmem:v23+s19+$0x0], $0xffff  }
0x4e: {  	v26 =	vmul.f32 v26, v32;
	v37 =	vld.idx.msk [tilespmem:v24+s19+$0x0], $0xffff  }
0x4f: {  	v30 =	vmul.f32 v30, v33;
	v32 =	vld.idx.msk [tilespmem:v15+s19+$0x0], $0xffff  }
0x50: {  	v26 =	vadd.f32 v28, v26;
	v29 =	vmul.f32 v29, v31;
	v28 =	vld [tilespmem:s29+$0x3060]  }
0x51: {  	v16 =	vmul.f32 v16, v34;
	v11 =	vadd.f32 v11, v30;
	v31 =	vld [tilespmem:s29+$0x3030]  }
0x52: {  	v27 =	vmul.f32 v27, v35;
	v18 =	vadd.f32 v18, v29;
	[tilespmem:v21+s19+$0x0] =	vst.idx.msk $0xffff, v26  }
0x53: {  	v16 =	vadd.f32 v17, v16;
	[tilespmem:v22+s19+$0x0] =	vst.idx.msk $0xffff, v11;
	v11 =	vmul.f32 v12, v36  }
0x54: {  	v10 =	vadd.f32 v10, v27;
	v9 =	vmul.f32 v9, v37;
	[tilespmem:v20+s19+$0x0] =	vst.idx.msk $0xffff, v18  }
0x55: {  	v12 =	vmul.f32 v14, v32;
	[tilespmem:v19+s19+$0x0] =	vst.idx.msk $0xffff, v16;
	v11 =	vadd.f32 v28, v11  }
0x56: {  	[tilespmem:v25+s19+$0x0] =	vst.idx.msk $0xffff, v10;
	v9 =	vadd.f32 v31, v9  }
0x57: {  	v10 =	vadd.f32 v13, v12;
	[tilespmem:v23+s19+$0x0] =	vst.idx.msk $0xffff, v11  }
0x58: {  	[tilespmem:v24+s19+$0x0] =	vst.idx.msk $0xffff, v9  }
0x59: {  	s31 =	sshll.u32 s28, $0x7;
	[tilespmem:v15+s19+$0x0] =	vst.idx.msk $0xffff, v10  }
0x5a: {  	v9 =	vld [tilespmem:s31+$0x3070]  }
0x5b: {  	v10 =	vld [tilespmem:s31+$0x3060]  }
0x5c: {  	v11 =	vld [tilespmem:s31+$0x0]  }
0x5d: {  	v12 =	vld [tilespmem:s31+$0x70]  }
0x5e: {  	v13 =	vld [tilespmem:s25+$0x0];
	s25 =	smov.u32 s24  }
0x5f: {  	v14 =	vld [tilespmem:s31+$0x3040]  }
0x60: {  	v15 =	vld [tilespmem:s31+$0x50]  }
0x61: {  	v16 =	vld [tilespmem:s31+$0x10]  }
0x62: {  	v17 =	vld [tilespmem:s31+$0x3030]  }
0x63: {  	s28 =	smul.u32 $0xAB, s30;
	v13 =	vshll.u32 v13, $0x7;
	v18 =	vld [tilespmem:s31+$0x60]  }
0x64: {  	v19 =	vor.u32 v0, v13;
	v20 =	vor.u32 v2, v13;
	v21 =	vld [tilespmem:s31+$0x3010];
	v22 =	vor.u32 v4, v13  }
0x65: {  	s29 =	sadd.s32 $0x156, s28;
	s28 =	sadd.s32 $0x201, s28;
	v23 =	vor.u32 v5, v13;
	v24 =	vor.u32 v6, v13;
	v26 =	vor.u32 v7, v13;
	v25 =	vld [tilespmem:s31+$0x3050]  }
0x66: {  	s29 =	sshrl.u32 s29, $0x9;
	s28 =	sshrl.u32 s28, $0x9;
	v28 =	vor.u32 v8, v13;
	v27 =	vld [tilespmem:s31+$0x40]  }
0x67: {  	s0 =	smul.u32 $0x3, s29;
	v29 =	vld [tilespmem:s31+$0x3000]  }
0x68: {  	s1 =	smul.u32 $0x3, s28;
	v30 =	vld [tilespmem:s31+$0x20]  }
0x69: {  	s0 =	ssub.s32 s26, s0;
	v31 =	vld.idx.msk [tilespmem:v19+s19+$0x0], $0xffff  }
0x6a: {  	s1 =	ssub.s32 s30, s1;
	s0 =	smul.u32 $0x1E, s0;
	v13 =	vor.u32 v3, v13;
	v32 =	vld.idx.msk [tilespmem:v26+s19+$0x0], $0xffff  }
0x6b: {  	s29 =	sand.u32 $0x7F, s29;
	s1 =	smul.u32 $0x1E, s1;
	v33 =	vld.idx.msk [tilespmem:v28+s19+$0x0], $0xffff  }
0x6c: {  	s28 =	sand.u32 $0x7F, s28;
	s0 =	sadd.s32 s29, s0;
	v34 =	vld.idx.msk [tilespmem:v20+s19+$0x0], $0xffff  }
0x6d: {  	s1 =	sadd.s32 s28, s1;
	s0 =	sand.u32 $0xFF, s0;
	v35 =	vld.idx.msk [tilespmem:v23+s19+$0x0], $0xffff  }
0x6e: {  	s29 =	sshll.u32 s0, $0x7;
	s0 =	sadd.s32 $0x5A, s1;
	v36 =	vld.idx.msk [tilespmem:v24+s19+$0x0], $0xffff  }
0x6f: {  	s28 =	sand.u32 $0xFF, s0;
	v11 =	vmul.f32 v11, v31;
	v31 =	vld.idx.msk [tilespmem:v13+s19+$0x0], $0xffff  }
0x70: {  	v18 =	vmul.f32 v18, v32;
	v37 =	vld.idx.msk [tilespmem:v22+s19+$0x0], $0xffff  }
0x71: {  	v11 =	vadd.f32 v29, v11;
	v12 =	vmul.f32 v12, v33;
	v29 =	vld [tilespmem:s31+$0x30]  }
0x72: {  	v16 =	vmul.f32 v16, v34;
	v10 =	vadd.f32 v10, v18;
	v32 =	vld [tilespmem:s31+$0x3020]  }
0x73: {  	v9 =	vadd.f32 v9, v12;
	[tilespmem:v19+s19+$0x0] =	vst.idx.msk $0xffff, v11;
	v11 =	vmul.f32 v27, v35  }
0x74: {  	v12 =	vadd.f32 v21, v16;
	v15 =	vmul.f32 v15, v36;
	[tilespmem:v26+s19+$0x0] =	vst.idx.msk $0xffff, v10  }
0x75: {  	v10 =	vmul.f32 v30, v31;
	v11 =	vadd.f32 v14, v11;
	[tilespmem:v28+s19+$0x0] =	vst.idx.msk $0xffff, v9  }
0x76: {  	[tilespmem:v20+s19+$0x0] =	vst.idx.msk $0xffff, v12;
	v9 =	vmul.f32 v29, v37;
	v12 =	vadd.f32 v25, v15  }
0x77: {  	v10 =	vadd.f32 v32, v10;
	[tilespmem:v23+s19+$0x0] =	vst.idx.msk $0xffff, v11  }
0x78: {  	v9 =	vadd.f32 v17, v9;
	[tilespmem:v24+s19+$0x0] =	vst.idx.msk $0xffff, v12  }
0x79: {  	[tilespmem:v13+s19+$0x0] =	vst.idx.msk $0xffff, v10  }
0x7a: {  	[tilespmem:v22+s19+$0x0] =	vst.idx.msk $0xffff, v9  }
0x7b: {  	v11 =	vld [tilespmem:s29+$0x3040]  }
0x7c: {  	v9 =	vld [tilespmem:s29+$0x30]  }
0x7d: {  	v16 =	vld [tilespmem:s29+$0x20]  }
0x7e: {  	v10 =	vld [tilespmem:s29+$0x3010]  }
0x7f: {  	v13 =	vld [tilespmem:s24+$0xFFFFFF80]  }
0x80: {  	v12 =	vld [tilespmem:s29+$0x60]  }
0x81: {  	v26 =	vld [tilespmem:s29+$0x50]  }
0x82: {  	v17 =	vld [tilespmem:s29+$0x3020]  }
0x83: {  	v18 =	vld [tilespmem:s29+$0x3070]  }
0x84: {  	v24 =	vshll.u32 v13, $0x7;
	v14 =	vld [tilespmem:s29+$0x0]  }
0x85: {  	v15 =	vor.u32 v0, v24;
	v21 =	vor.u32 v6, v24;
	v28 =	vld [tilespmem:s29+$0x3050]  }
0x86: {  	v22 =	vor.u32 v5, v24;
	v13 =	vld [tilespmem:s29+$0x3000]  }
0x87: {  	v20 =	vor.u32 v8, v24;
	v27 =	vld [tilespmem:s29+$0x10]  }
0x88: {  	v19 =	vor.u32 v3, v24;
	v29 =	vld [tilespmem:s29+$0x70]  }
.Ltmp1:
0x89: {  	v25 =	vor.u32 v2, v24;
	v30 =	vld [tilespmem:s29+$0x40];
	(pc) =	sbr.rel @p0 .LBB2_3-.Ltmp1, $4  }
0x8a: {  	v23 =	vor.u32 v7, v24;
	v32 =	vld.idx.msk [tilespmem:v21+s19+$0x0], $0xffff  }
0x8b: {  	v24 =	vor.u32 v4, v24;
	v33 =	vld.idx.msk [tilespmem:v22+s19+$0x0], $0xffff  }
0x8c: {  	v31 =	vld.idx.msk [tilespmem:v20+s19+$0x0], $0xffff  }
0x8d: {  	v34 =	vld.idx.msk [tilespmem:v19+s19+$0x0], $0xffff  }
0x8e: {  	_ =	sdelay $0x3  }
0x8f: {  	v35 =	vld.idx.msk [tilespmem:v25+s19+$0x0], $0xffff  }
0x90: {  	v36 =	vld.idx.msk [tilespmem:v23+s19+$0x0], $0xffff  }
0x91: {  	v37 =	vld.idx.msk [tilespmem:v24+s19+$0x0], $0xffff;
	v26 =	vmul.f32 v26, v32  }
0x92: {  	v63 =	vld.idx.msk [tilespmem:v15+s19+$0x0], $0xffff;
	v30 =	vmul.f32 v30, v33  }
0x93: {  	v33 =	vld [tilespmem:s29+$0x3060];
	v26 =	vadd.f32 v28, v26;
	v29 =	vmul.f32 v29, v31  }
0x94: {  	v16 =	vmul.f32 v16, v34;
	v34 =	vld [tilespmem:s29+$0x3030];
	v11 =	vadd.f32 v11, v30  }
0x95: {  	v27 =	vmul.f32 v27, v35;
	[tilespmem:v21+s19+$0x0] =	vst.idx.msk $0xffff, v26;
	v18 =	vadd.f32 v18, v29  }
0x96: {  	v16 =	vadd.f32 v17, v16;
	[tilespmem:v22+s19+$0x0] =	vst.idx.msk $0xffff, v11;
	v11 =	vmul.f32 v12, v36  }
0x97: {  	v9 =	vmul.f32 v9, v37;
	v10 =	vadd.f32 v10, v27;
	[tilespmem:v20+s19+$0x0] =	vst.idx.msk $0xffff, v18  }
0x98: {  	v38 =	vmul.f32 v14, v63;
	[tilespmem:v19+s19+$0x0] =	vst.idx.msk $0xffff, v16;
	v11 =	vadd.f32 v33, v11  }
0x99: {  	[tilespmem:v25+s19+$0x0] =	vst.idx.msk $0xffff, v10;
	v9 =	vadd.f32 v34, v9  }
0x9a: {  	v10 =	vadd.f32 v13, v38;
	[tilespmem:v23+s19+$0x0] =	vst.idx.msk $0xffff, v11  }
0x9b: {  	[tilespmem:v24+s19+$0x0] =	vst.idx.msk $0xffff, v9  }
0x9c: {  	s0 =	sshll.u32 s28, $0x7;
	[tilespmem:v15+s19+$0x0] =	vst.idx.msk $0xffff, v10  }
0x9d: {  	v9 =	vld [tilespmem:s0+$0x3070]  }
0x9e: {  	v10 =	vld [tilespmem:s0+$0x3060]  }
0x9f: {  	v11 =	vld [tilespmem:s0+$0x0]  }
0xa0: {  	v39 =	vld [tilespmem:s25+$0x0]  }
0xa1: {  	v40 =	vld [tilespmem:s0+$0x70]  }
0xa2: {  	v41 =	vld [tilespmem:s0+$0x3040]  }
0xa3: {  	v15 =	vld [tilespmem:s0+$0x50]  }
0xa4: {  	v16 =	vld [tilespmem:s0+$0x10]  }
0xa5: {  	v42 =	vld [tilespmem:s0+$0x60]  }
0xa6: {  	v19 =	vld [tilespmem:s0+$0x3010];
	v12 =	vshll.u32 v39, $0x7  }
0xa7: {  	v20 =	vld [tilespmem:s0+$0x3050];
	v43 =	vor.u32 v0, v12  }
0xa8: {  	v22 =	vld [tilespmem:s0+$0x40];
	v44 =	vor.u32 v7, v12  }
0xa9: {  	v25 =	vld [tilespmem:s0+$0x3000];
	v45 =	vor.u32 v8, v12  }
0xaa: {  	v48 =	vld [tilespmem:s0+$0x20];
	v46 =	vor.u32 v2, v12  }
0xab: {  	v59 =	vld [tilespmem:s0+$0x30];
	v49 =	vor.u32 v6, v12  }
0xac: {  	v47 =	vor.u32 v5, v12;
	v50 =	vld.idx.msk [tilespmem:v43+s19+$0x0], $0xffff  }
0xad: {  	v51 =	vor.u32 v3, v12;
	v52 =	vld.idx.msk [tilespmem:v44+s19+$0x0], $0xffff  }
0xae: {  	v12 =	vor.u32 v4, v12;
	v53 =	vld.idx.msk [tilespmem:v45+s19+$0x0], $0xffff  }
0xaf: {  	v54 =	vld.idx.msk [tilespmem:v46+s19+$0x0], $0xffff  }
0xb0: {  	v56 =	vld.idx.msk [tilespmem:v49+s19+$0x0], $0xffff  }
0xb1: {  	v55 =	vld.idx.msk [tilespmem:v47+s19+$0x0], $0xffff;
	v11 =	vmul.f32 v11, v50  }
0xb2: {  	v57 =	vld.idx.msk [tilespmem:v51+s19+$0x0], $0xffff;
	v17 =	vmul.f32 v42, v52  }
0xb3: {  	v58 =	vld.idx.msk [tilespmem:v12+s19+$0x0], $0xffff;
	v13 =	vmul.f32 v40, v53;
	v11 =	vadd.f32 v25, v11  }
0xb4: {  	v60 =	vld [tilespmem:s0+$0x3020];
	v16 =	vmul.f32 v16, v54;
	v10 =	vadd.f32 v10, v17  }
0xb5: {  	v61 =	vld [tilespmem:s0+$0x3030];
	v15 =	vmul.f32 v15, v56;
	v9 =	vadd.f32 v9, v13;
	[tilespmem:v43+s19+$0x0] =	vst.idx.msk $0xffff, v11  }
0xb6: {  	v62 =	vadd.f32 v19, v16;
	v11 =	vmul.f32 v22, v55;
	[tilespmem:v44+s19+$0x0] =	vst.idx.msk $0xffff, v10  }
0xb7: {  	v63 =	vadd.f32 v20, v15;
	v10 =	vmul.f32 v48, v57;
	[tilespmem:v45+s19+$0x0] =	vst.idx.msk $0xffff, v9  }
0xb8: {  	[tilespmem:v46+s19+$0x0] =	vst.idx.msk $0xffff, v62;
	v9 =	vmul.f32 v59, v58;
	v11 =	vadd.f32 v41, v11  }
0xb9: {  	[tilespmem:v49+s19+$0x0] =	vst.idx.msk $0xffff, v63;
	v10 =	vadd.f32 v60, v10  }
0xba: {  	v9 =	vadd.f32 v61, v9;
	[tilespmem:v47+s19+$0x0] =	vst.idx.msk $0xffff, v11  }
0xbb: {  	s23 =	sadd.s32 $0x1, s23;
	[tilespmem:v51+s19+$0x0] =	vst.idx.msk $0xffff, v10  }
0xbc: {  	p0 =	sne.s32 s23, s12;
	[tilespmem:v12+s19+$0x0] =	vst.idx.msk $0xffff, v9  }
0xbd: {  	[hbm4b:s4+s13] =	stream.strided.scatter [tilespmem:s19], [sflag:$0x2], $0x2C00, s14, s13, $0x38;
	[tilespmem:$0xC000] =	vst v63  }
.Ltmp2:
0xbe: {  	_ = 	snop;
	(pc) =	sbr.rel @p0 .LBB2_2-.Ltmp2, $4  }
0xbf: {  	[hbm4b:s21+s2] =	stream.linear.scatter [tilespmem:s20], [sflag:$0x2], $0x200, $0x38;
	[tilespmem:$0xC000] =	vst v63  }
0xc0: {  	_ =	swait.ge [sflag:s22], $0x2E00  }
0xc1: {  	[sflag:s22] =	ssyncset.done $0x0  }
0xc2: {  	[sflag:s22] =	ssyncadd.s32 $0xFFFFD200  }
.LBB2_5:
0xc3: {  	_ =	sfence.sel $0x180000  }
0xc4: {  	[bflag:$0x0] =	sbarrier.arrive $0xFFFF  }
0xc5: {  	_ =	strace $0x90000047  }
0xc6: {  	s0 =	stileid.u32;
	[bflag:$0x2] =	sbarrier.arrive $0xFFFF  }
0xc7: {  	p0 =	sne.s32 s0, $0x0;
	s0 =	rddreg [dreg:$0x2]  }
0xc8: {  	s0 =	sadd.s32 @!p0 $0x100000, s0  }
0xc9: {  	[sflag:s0] =	ssyncadd.tile.s32 @!p0 $0x1;
	_ =	shalt  }
.Lfunc_end2:
_tile_overlayer_lowered:
.L_overlay_start_2:
0xca: {  	(tag) =	ssettag $0x2  }
0xcb: {  	s0 =	rddreg [dreg:$0x0];
	s2 =	stileid.u32  }
0xcc: {  	s1 =	rddreg [dreg:$0x1];
	p0 =	sne.s32 s2, $0x0  }
0xcd: {  	s3 =	rddreg [dreg:$0x2];
	[bflag:$0x3] =	sbarrier.arrive $0xFFFF;
	s2 =	simm.s32 @!p0 $0x1C02  }
0xce: {  	[timem:s3], [sflag:s2] =	dma.local @!p0 [hbm:s0], s1  }
0xcf: {  	s0 =	simm.s32 @!p0 $0x2  }
0xd0: {  	_ =	swait.ge @!p0 [sflag:s0], s1  }
0xd1: {  	s1 =	ssub.s32 @!p0 $0x0, s1;
	[sflag:s0] =	ssyncset.done @!p0 $0x0  }
0xd2: {  	[sflag:s0] =	ssyncadd.s32 @!p0 s1  }
0xd3: {  	[bflag:$0x3] =	sbarrier.arrive $0xFFFF  }
0xd4: {  	_ =	shalt  }

</sc_bundles>
